<compile_context>
chip_gen: v7x
topology: tpu7x:2x2x1
jax: 0.10.2.dev20260603
libtpu: 0.0.44.dev20260713+nightly
codegen_flags: <defaults>
</compile_context>

<pallas_src>
import functools

import jax
import jax.numpy as jnp
from jax import lax
from jax.experimental import pallas as pl
from jax.experimental.pallas import tpu as pltpu
from jax.experimental.pallas import tpu_sc as plsc

N = 10000
E = 320000
D = 128
DE = 16
NA = 512
NC, NS = 2, 16
NW = NC * NS
G = 128
BE = 2048
NBE = (E + G + BE - 1) // BE
EP = NBE * BE


def _p1_body(nf_ref, w1_ref, w2_ref, a_ref, b_ref):
    a_ref[...] = jnp.dot(nf_ref[...], w1_ref[...],
                         preferred_element_type=jnp.float32)

    @pl.when(pl.program_id(0) == 0)
    def _():
        b_ref[...] = jnp.dot(nf_ref[0:NA, :], w2_ref[...],
                             preferred_element_type=jnp.float32)


def _p1(node_feats, w1, w2):
    blk = 2000
    return pl.pallas_call(
        _p1_body,
        grid=(N // blk,),
        in_specs=[
            pl.BlockSpec((blk, D), lambda i: (i, 0)),
            pl.BlockSpec((D, D), lambda i: (0, 0)),
            pl.BlockSpec((D, D), lambda i: (0, 0)),
        ],
        out_specs=[
            pl.BlockSpec((blk, D), lambda i: (i, 0)),
            pl.BlockSpec((NA, D), lambda i: (0, 0)),
        ],
        out_shape=[
            jax.ShapeDtypeStruct((N, D), jnp.float32),
            jax.ShapeDtypeStruct((NA, D), jnp.float32),
        ],
    )(node_feats, w1, w2)


def _p2_body(s_ref, ef_ref, w3_ref, b_ref, c_ref):
    @pl.when(pl.program_id(0) <= s_ref[0])
    def _():
        c_ref[...] = jnp.dot(ef_ref[...], w3_ref[...],
                             preferred_element_type=jnp.float32) + b_ref[...]


def _p2_call(gsz):
    grid_spec = pltpu.PrefetchScalarGridSpec(
        num_scalar_prefetch=1,
        grid=(gsz,),
        in_specs=[
            pl.BlockSpec((BE, DE), lambda i, s: (jnp.minimum(i, s[0]), 0)),
            pl.BlockSpec((DE, D), lambda i, s: (0, 0)),
            pl.BlockSpec((1, D), lambda i, s: (0, 0)),
        ],
        out_specs=pl.BlockSpec((BE, D), lambda i, s: (jnp.minimum(i, s[0]), 0)),
    )

    def call(last_blk, edge_feats, w3, b_msg):
        return pl.pallas_call(
            _p2_body,
            grid_spec=grid_spec,
            out_shape=jax.ShapeDtypeStruct((EP, D), jnp.float32),
        )(last_blk, edge_feats, w3, b_msg)
    return call


_P2_SIZES = (2, 4, 6, 8, 9, 10, 12, 16, 32, 64, NBE)
_P2_BRANCHES = tuple(_p2_call(g) for g in _P2_SIZES)


def _p2(cutoff, edge_feats, w3, b_msg):
    needed = jnp.maximum((cutoff + BE - 1) // BE, 1)
    idx = jnp.int32(0)
    for s in _P2_SIZES[:-1]:
        idx = idx + (needed > s).astype(jnp.int32)
    last_blk = (needed - 1).reshape(1)
    return lax.switch(idx, _P2_BRANCHES, last_blk, edge_feats, w3, b_msg)


def _p3_body(a_hbm, b_hbm, c_hbm, send_hbm, recv_hbm, cut_hbm, out_hbm,
             sidx_v, ridx_v, rcl_v, rows_a, rows_b, rows_c, cut_v,
             agg_sh, sem_a, sem_b, sem_c, sem_i, sem_j):
    cid = lax.axis_index("c")
    sid = lax.axis_index("s")
    w = sid * NC + cid

    pltpu.sync_copy(cut_hbm, cut_v)
    cut = cut_v[...][0]

    rows_per = NA // NS
    z = jnp.zeros((16,), jnp.float32)

    def _zrow(r, carry):
        for j in range(D // 16):
            rows_a[r, pl.ds(j * 16, 16)] = z
        return carry

    lax.fori_loop(0, rows_per, _zrow, 0)
    pltpu.sync_copy(rows_a.at[pl.ds(0, rows_per)],
                    agg_sh.at[pl.ds(sid * rows_per, rows_per)])
    plsc.subcore_barrier()

    per_w = (cut + NW - 1) // NW
    per_w = ((per_w + 7) // 8) * 8
    lo = w * per_w
    hi = jnp.minimum(lo + per_w, cut)
    mycnt = jnp.maximum(hi - lo, 0)
    nb = (mycnt + G - 1) // G

    def _batch(b, carry):
        base = pl.multiple_of(lo + b * G, 8)
        cp_c = pltpu.async_copy(c_hbm.at[pl.ds(base, G)], rows_c, sem_c)
        cp_i = pltpu.async_copy(send_hbm.at[pl.ds(base, G)], sidx_v, sem_i)
        cp_j = pltpu.async_copy(recv_hbm.at[pl.ds(base, G)], ridx_v, sem_j)
        cp_i.wait()
        cp_j.wait()
        for j in range(G // 16):
            ev = base + j * 16 + lax.iota(jnp.int32, 16)
            r16 = ridx_v[pl.ds(j * 16, 16)]
            rcl_v[pl.ds(j * 16, 16)] = jnp.where(ev < hi, r16, 0)
        cp_a = pltpu.async_copy(a_hbm.at[sidx_v], rows_a, sem_a)
        cp_b = pltpu.async_copy(b_hbm.at[rcl_v], rows_b, sem_b)
        cp_a.wait()
        cp_b.wait()
        cp_c.wait()

        def _row(r, c2):
            vrow = (base + r) < hi
            for j in range(D // 16):
                sl = pl.ds(j * 16, 16)
                m = jnp.maximum(rows_a[r, sl] + rows_b[r, sl] + rows_c[r, sl],
                                0.0)
                rows_a[r, sl] = jnp.where(vrow, m, 0.0)
            return c2

        lax.fori_loop(0, G, _row, 0)
        pltpu.sync_copy(rows_a, agg_sh.at[rcl_v], add=True)
        return carry

    lax.fori_loop(0, nb, _batch, 0)
    plsc.subcore_barrier()

    row0 = cid * NA + sid * rows_per
    pltpu.sync_copy(agg_sh.at[pl.ds(sid * rows_per, rows_per)],
                    out_hbm.at[pl.ds(row0, rows_per)])


_p3 = functools.partial(
    pl.kernel,
    out_type=jax.ShapeDtypeStruct((NC * NA, D), jnp.float32),
    mesh=plsc.VectorSubcoreMesh(core_axis_name="c", subcore_axis_name="s"),
    scratch_types=[
        pltpu.VMEM((G,), jnp.int32),
        pltpu.VMEM((G,), jnp.int32),
        pltpu.VMEM((G,), jnp.int32),
        pltpu.VMEM((G, D), jnp.float32),
        pltpu.VMEM((G, D), jnp.float32),
        pltpu.VMEM((G, D), jnp.float32),
        pltpu.VMEM((16,), jnp.int32),
        pltpu.VMEM_SHARED((NA, D), jnp.float32),
        pltpu.SemaphoreType.DMA,
        pltpu.SemaphoreType.DMA,
        pltpu.SemaphoreType.DMA,
        pltpu.SemaphoreType.DMA,
        pltpu.SemaphoreType.DMA,
    ],
)(_p3_body)


def _p4_body(nf_ref, parts_ref, wu_ref, bu_ref, w1_ref, b1_ref,
             w2_ref, b2_ref, wo_ref, bo_ref, out_ref):
    agg = parts_ref[0:NA, :] + parts_ref[NA:2 * NA, :]
    nf = nf_ref[...]
    h = jnp.dot(nf, wu_ref[0:D, :], preferred_element_type=jnp.float32)
    h += jnp.dot(agg, wu_ref[D:2 * D, :], preferred_element_type=jnp.float32)
    h = jnp.maximum(h + bu_ref[...], 0.0)
    h1 = jnp.maximum(
        jnp.dot(h, w1_ref[...], preferred_element_type=jnp.float32)
        + b1_ref[...], 0.0)
    h2 = jnp.maximum(
        jnp.dot(h1, w2_ref[...], preferred_element_type=jnp.float32)
        + b2_ref[...], 0.0)
    out_ref[...] = jnp.tanh(
        jnp.dot(h2, wo_ref[...], preferred_element_type=jnp.float32)
        + bo_ref[...])


def _p4(nf, parts, w_upd, b_upd, w_h1, b_h1, w_h2, b_h2, w_out, b_out):
    hh = w_h1.shape[1]
    nu = w_out.shape[1]
    return pl.pallas_call(
        _p4_body,
        grid=(1,),
        in_specs=[
            pl.BlockSpec((NA, D), lambda i: (0, 0)),
            pl.BlockSpec((NC * NA, D), lambda i: (0, 0)),
            pl.BlockSpec((2 * D, D), lambda i: (0, 0)),
            pl.BlockSpec((1, D), lambda i: (0, 0)),
            pl.BlockSpec((D, hh), lambda i: (0, 0)),
            pl.BlockSpec((1, hh), lambda i: (0, 0)),
            pl.BlockSpec((hh, hh), lambda i: (0, 0)),
            pl.BlockSpec((1, hh), lambda i: (0, 0)),
            pl.BlockSpec((hh, nu), lambda i: (0, 0)),
            pl.BlockSpec((1, nu), lambda i: (0, 0)),
        ],
        out_specs=pl.BlockSpec((NA, nu), lambda i: (0, 0)),
        out_shape=jax.ShapeDtypeStruct((NA, nu), jnp.float32),
    )(nf, parts, w_upd, b_upd, w_h1, b_h1, w_h2, b_h2, w_out, b_out)


def kernel(node_feats, edge_feats, senders, receivers, n_agents,
           W_msg, b_msg, W_upd, b_upd, W_h1, b_h1, W_h2, b_h2, W_out, b_out):
    w1 = W_msg[0:D, :]
    w2 = W_msg[D:2 * D, :]
    w3 = W_msg[2 * D:, :]

    cutoff = jnp.sum((receivers < NA).astype(jnp.int32)).astype(jnp.int32)
    pad = jnp.zeros((G,), jnp.int32)
    send_p = jnp.concatenate([senders.astype(jnp.int32), pad])
    recv_p = jnp.concatenate([receivers, pad])

    a, b512 = _p1(node_feats, w1, w2)
    c = _p2(cutoff, edge_feats, w3, b_msg.reshape(1, D))
    cut16 = jnp.full((16,), cutoff, jnp.int32)
    parts = _p3(a, b512, c, send_p, recv_p, cut16)
    return _p4(node_feats, parts, W_upd, b_upd.reshape(1, -1),
               W_h1, b_h1.reshape(1, -1), W_h2, b_h2.reshape(1, -1),
               W_out, b_out.reshape(1, -1))

# --- scband reference (transcript-rebuilt; emitter-appended) ---
"""Pipeline reference for scband-deterministic-30502857736466 (READ-ONLY COPY).

The authoritative reference and input builder live on the scoring server;
editing this copy changes nothing except your own understanding.
"""

import jax, jax.numpy as jnp
import numpy as np

N, E, D, DE = 10000, 320000, 128, 16
H_BASE, H_HEAD, NU = 128, 256, 4
N_AGENTS = 512

def setup_inputs(seed: int = 0) -> dict:
    key = jax.random.key(seed)
    ks = jax.random.split(key, 16)
    node_feats = jax.random.normal(ks[0], (N, D), dtype=jnp.float32)
    edge_feats = jax.random.normal(ks[1], (E, DE), dtype=jnp.float32)
    senders = jax.random.randint(ks[2], (E,), 0, N, dtype=jnp.int64) if jax.config.jax_enable_x64 else jax.random.randint(ks[2], (E,), 0, N).astype(jnp.int32)
    receivers = jnp.sort(jax.random.randint(ks[3], (E,), 0, N).astype(jnp.int32))
    def w(k, fan_in, fan_out):
        return jax.random.normal(k, (fan_in, fan_out), dtype=jnp.float32) / jnp.sqrt(jnp.float32(fan_in))
    params = {
        'W_msg': w(ks[4], 2 * D + DE, H_BASE), 'b_msg': jnp.zeros((H_BASE,), jnp.float32),
        'W_upd': w(ks[5], D + H_BASE, H_BASE), 'b_upd': jnp.zeros((H_BASE,), jnp.float32),
        'W_h1': w(ks[6], H_BASE, H_HEAD), 'b_h1': jnp.zeros((H_HEAD,), jnp.float32),
        'W_h2': w(ks[7], H_HEAD, H_HEAD), 'b_h2': jnp.zeros((H_HEAD,), jnp.float32),
        'W_out': w(ks[8], H_HEAD, NU), 'b_out': jnp.zeros((NU,), jnp.float32),
    }
    return {'node_feats': node_feats, 'edge_feats': edge_feats, 'senders': senders.astype(jnp.int32), 'receivers': receivers, 'n_agents': N_AGENTS, **params}

def reference(node_feats, edge_feats, senders, receivers, n_agents,
              W_msg, b_msg, W_upd, b_upd, W_h1, b_h1, W_h2, b_h2, W_out, b_out):
    # base GNN: one round of message passing over the graph
    x_s = jnp.take(node_feats, senders, axis=0)      # gather [E, D]
    x_r = jnp.take(node_feats, receivers, axis=0)    # gather [E, D]
    msg_in = jnp.concatenate([x_s, x_r, edge_feats], axis=-1)
    msg = jax.nn.relu(msg_in @ W_msg + b_msg)        # [E, H_BASE]
    agg = jax.ops.segment_sum(msg, receivers, num_segments=node_feats.shape[0])  # scatter-add [N, H_BASE]
    upd_in = jnp.concatenate([node_feats, agg], axis=-1)
    h = jax.nn.relu(upd_in @ W_upd + b_upd)          # [N, H_BASE]
    # select agent nodes (node_type==0 convention: first n_agents nodes)
    h_agents = jax.lax.dynamic_slice_in_dim(h, n_agents * 0, N_AGENTS, axis=0)  # [n_agents, H_BASE]
    # head MLP
    h1 = jax.nn.relu(h_agents @ W_h1 + b_h1)
    h2 = jax.nn.relu(h1 @ W_h2 + b_h2)
    # OutputDense + tanh -> deterministic action
    action = jnp.tanh(h2 @ W_out + b_out)            # [n_agents, NU]
    return action

if __name__ == "__main__":
    import jax
    _d = setup_inputs()
    print(jax.jit(kernel)(*tuple(_d.values())))

</pallas_src>

<mosaic_0001>
#map = affine_map<(d0, d1) -> (0, 0)>
#map1 = affine_map<(d0, d1) -> (0)>
module attributes {stable_mosaic.version = 14 : i64} {
  func.func @_p3_body(%arg0: i32, %arg1: i32, %arg2: memref<10000x128xf32, #tpu.memory_space<hbm>>, %arg3: memref<512x128xf32, #tpu.memory_space<hbm>>, %arg4: memref<321536x128xf32, #tpu.memory_space<hbm>>, %arg5: memref<320128xi32, #tpu.memory_space<hbm>>, %arg6: memref<320128xi32, #tpu.memory_space<hbm>>, %arg7: memref<16xi32, #tpu.memory_space<hbm>>, %arg8: memref<1024x128xf32, #tpu.memory_space<hbm>>, %arg9: memref<128xi32, #tpu.memory_space<vmem>>, %arg10: memref<128xi32, #tpu.memory_space<vmem>>, %arg11: memref<128xi32, #tpu.memory_space<vmem>>, %arg12: memref<128x128xf32, #tpu.memory_space<vmem>>, %arg13: memref<128x128xf32, #tpu.memory_space<vmem>>, %arg14: memref<128x128xf32, #tpu.memory_space<vmem>>, %arg15: memref<16xi32, #tpu.memory_space<vmem>>, %arg16: memref<512x128xf32, #tpu.memory_space<vmem_shared>>, %arg17: memref<!tpu.dma_semaphore, #tpu.memory_space<semaphore_mem>>, %arg18: memref<!tpu.dma_semaphore, #tpu.memory_space<semaphore_mem>>, %arg19: memref<!tpu.dma_semaphore, #tpu.memory_space<semaphore_mem>>, %arg20: memref<!tpu.dma_semaphore, #tpu.memory_space<semaphore_mem>>, %arg21: memref<!tpu.dma_semaphore, #tpu.memory_space<semaphore_mem>>) attributes {dimension_semantics = [#tpu.dimension_semantics<core_parallel>, #tpu.dimension_semantics<subcore_parallel>], iteration_bounds = array<i64: 2, 16>, scalar_prefetch = 0 : i64, scratch_operands = 13 : i64, tpu.core_type = #tpu.core_type<sc_vector_subcore>, window_params = [{transform_indices = #map}, {transform_indices = #map}, {transform_indices = #map}, {transform_indices = #map1}, {transform_indices = #map1}, {transform_indices = #map1}, {transform_indices = #map}]} {
    %mul3A = arith.constant 2 : i32
    %mul3A_0 = arith.muli %arg1, %mul3A : i32
    %add3A = arith.addi %mul3A_0, %arg0 : i32
    "tpu.region"() ({
      %run_scoped3A = tpu.sem_alloc : memref<!tpu.dma_semaphore, #tpu.memory_space<semaphore_mem>>
      tpu.enqueue_dma source(%arg7 : memref<16xi32, #tpu.memory_space<hbm>>) target(%arg15 : memref<16xi32, #tpu.memory_space<vmem>>) target_semaphore(%run_scoped3A : memref<!tpu.dma_semaphore, #tpu.memory_space<semaphore_mem>>)
      tpu.wait_dma2 semaphore(%run_scoped3A : memref<!tpu.dma_semaphore, #tpu.memory_space<semaphore_mem>>) src(%arg7 : memref<16xi32, #tpu.memory_space<hbm>>) dst(%arg15 : memref<16xi32, #tpu.memory_space<vmem>>)
      tpu.yield
    }) : () -> ()
    %get3A = arith.constant 0 : index
    %get3A_1 = tpu.vector_load %arg15[%get3A] {strides = array<i32>} : memref<16xi32, #tpu.memory_space<vmem>>, vector<16xi32>,
    %get3A_2 = vector.shape_cast %get3A_1 : vector<16xi32> to vector<16xi32>
    %slice3A = vector.extract_strided_slice %get3A_2 {offsets = [0], sizes = [1], strides = [1]} : vector<16xi32> to vector<1xi32>
    %squeeze3A = vector.extract %slice3A[0] : i32 from vector<1xi32>
    %broadcast_in_dim3A = arith.constant 0.000000e+00 : f32
    %broadcast_in_dim3A_3 = vector.broadcast %broadcast_in_dim3A : f32 to vector<16xf32>
    %scan3A = arith.constant 0 : i32
    %scan3A_4 = arith.constant 0 : i32
    %scan3A_5 = arith.constant 32 : i32
    %scan3A_6 = arith.addi %scan3A_4, %scan3A_5 : i32
    %scan3A_7 = arith.constant 1 : i32
    scf.for %scan3A_108 = %scan3A_4 to %scan3A_6 step %scan3A_7  : i32 {
      %swap3A = arith.index_cast %scan3A_108 : i32 to index
      %swap3A_109 = arith.constant 0 : index
      %swap3A_110 = tpu.vector_load %arg12[%swap3A, %swap3A_109] {strides = array<i32>} : memref<128x128xf32, #tpu.memory_space<vmem>>, vector<1x16xf32>,
      %swap3A_111 = vector.shape_cast %swap3A_110 : vector<1x16xf32> to vector<16xf32>
      %swap3A_112 = vector.shape_cast %broadcast_in_dim3A_3 : vector<16xf32> to vector<1x16xf32>
      tpu.vector_store %arg12[%swap3A, %swap3A_109], %swap3A_112 {strides = array<i32>} : memref<128x128xf32, #tpu.memory_space<vmem>>, vector<1x16xf32>,
      %swap3A_113 = arith.index_cast %scan3A_108 : i32 to index
      %swap3A_114 = arith.constant 16 : index
      %swap3A_115 = tpu.vector_load %arg12[%swap3A_113, %swap3A_114] {strides = array<i32>} : memref<128x128xf32, #tpu.memory_space<vmem>>, vector<1x16xf32>,
      %swap3A_116 = vector.shape_cast %swap3A_115 : vector<1x16xf32> to vector<16xf32>
      %swap3A_117 = vector.shape_cast %broadcast_in_dim3A_3 : vector<16xf32> to vector<1x16xf32>
      tpu.vector_store %arg12[%swap3A_113, %swap3A_114], %swap3A_117 {strides = array<i32>} : memref<128x128xf32, #tpu.memory_space<vmem>>, vector<1x16xf32>,
      %swap3A_118 = arith.index_cast %scan3A_108 : i32 to index
      %swap3A_119 = arith.constant 32 : index
      %swap3A_120 = tpu.vector_load %arg12[%swap3A_118, %swap3A_119] {strides = array<i32>} : memref<128x128xf32, #tpu.memory_space<vmem>>, vector<1x16xf32>,
      %swap3A_121 = vector.shape_cast %swap3A_120 : vector<1x16xf32> to vector<16xf32>
      %swap3A_122 = vector.shape_cast %broadcast_in_dim3A_3 : vector<16xf32> to vector<1x16xf32>
      tpu.vector_store %arg12[%swap3A_118, %swap3A_119], %swap3A_122 {strides = array<i32>} : memref<128x128xf32, #tpu.memory_space<vmem>>, vector<1x16xf32>,
      %swap3A_123 = arith.index_cast %scan3A_108 : i32 to index
      %swap3A_124 = arith.constant 48 : index
      %swap3A_125 = tpu.vector_load %arg12[%swap3A_123, %swap3A_124] {strides = array<i32>} : memref<128x128xf32, #tpu.memory_space<vmem>>, vector<1x16xf32>,
      %swap3A_126 = vector.shape_cast %swap3A_125 : vector<1x16xf32> to vector<16xf32>
      %swap3A_127 = vector.shape_cast %broadcast_in_dim3A_3 : vector<16xf32> to vector<1x16xf32>
      tpu.vector_store %arg12[%swap3A_123, %swap3A_124], %swap3A_127 {strides = array<i32>} : memref<128x128xf32, #tpu.memory_space<vmem>>, vector<1x16xf32>,
      %swap3A_128 = arith.index_cast %scan3A_108 : i32 to index
      %swap3A_129 = arith.constant 64 : index
      %swap3A_130 = tpu.vector_load %arg12[%swap3A_128, %swap3A_129] {strides = array<i32>} : memref<128x128xf32, #tpu.memory_space<vmem>>, vector<1x16xf32>,
      %swap3A_131 = vector.shape_cast %swap3A_130 : vector<1x16xf32> to vector<16xf32>
      %swap3A_132 = vector.shape_cast %broadcast_in_dim3A_3 : vector<16xf32> to vector<1x16xf32>
      tpu.vector_store %arg12[%swap3A_128, %swap3A_129], %swap3A_132 {strides = array<i32>} : memref<128x128xf32, #tpu.memory_space<vmem>>, vector<1x16xf32>,
      %swap3A_133 = arith.index_cast %scan3A_108 : i32 to index
      %swap3A_134 = arith.constant 80 : index
      %swap3A_135 = tpu.vector_load %arg12[%swap3A_133, %swap3A_134] {strides = array<i32>} : memref<128x128xf32, #tpu.memory_space<vmem>>, vector<1x16xf32>,
      %swap3A_136 = vector.shape_cast %swap3A_135 : vector<1x16xf32> to vector<16xf32>
      %swap3A_137 = vector.shape_cast %broadcast_in_dim3A_3 : vector<16xf32> to vector<1x16xf32>
      tpu.vector_store %arg12[%swap3A_133, %swap3A_134], %swap3A_137 {strides = array<i32>} : memref<128x128xf32, #tpu.memory_space<vmem>>, vector<1x16xf32>,
      %swap3A_138 = arith.index_cast %scan3A_108 : i32 to index
      %swap3A_139 = arith.constant 96 : index
      %swap3A_140 = tpu.vector_load %arg12[%swap3A_138, %swap3A_139] {strides = array<i32>} : memref<128x128xf32, #tpu.memory_space<vmem>>, vector<1x16xf32>,
      %swap3A_141 = vector.shape_cast %swap3A_140 : vector<1x16xf32> to vector<16xf32>
      %swap3A_142 = vector.shape_cast %broadcast_in_dim3A_3 : vector<16xf32> to vector<1x16xf32>
      tpu.vector_store %arg12[%swap3A_138, %swap3A_139], %swap3A_142 {strides = array<i32>} : memref<128x128xf32, #tpu.memory_space<vmem>>, vector<1x16xf32>,
      %swap3A_143 = arith.index_cast %scan3A_108 : i32 to index
      %swap3A_144 = arith.constant 112 : index
      %swap3A_145 = tpu.vector_load %arg12[%swap3A_143, %swap3A_144] {strides = array<i32>} : memref<128x128xf32, #tpu.memory_space<vmem>>, vector<1x16xf32>,
      %swap3A_146 = vector.shape_cast %swap3A_145 : vector<1x16xf32> to vector<16xf32>
      %swap3A_147 = vector.shape_cast %broadcast_in_dim3A_3 : vector<16xf32> to vector<1x16xf32>
      tpu.vector_store %arg12[%swap3A_143, %swap3A_144], %swap3A_147 {strides = array<i32>} : memref<128x128xf32, #tpu.memory_space<vmem>>, vector<1x16xf32>,
    }
    %scan3A_8 = arith.constant 32 : i32
    %mul3A_9 = arith.constant 32 : i32
    %mul3A_10 = arith.muli %arg1, %mul3A_9 : i32
    "tpu.region"() ({
      %run_scoped3A = tpu.sem_alloc : memref<!tpu.dma_semaphore, #tpu.memory_space<semaphore_mem>>
      %dma_start3A = arith.constant 0 : i32
      %dma_start3A_108 = arith.constant 0 : i32
      %dma_start3A_109 = tpu.memref_slice %arg12[%dma_start3A, %dma_start3A_108] : memref<128x128xf32, #tpu.memory_space<vmem>> -> memref<32x128xf32, #tpu.memory_space<vmem>>
      %dma_start3A_110 = arith.constant 0 : i32
      %dma_start3A_111 = tpu.memref_slice %arg16[%mul3A_10, %dma_start3A_110] : memref<512x128xf32, #tpu.memory_space<vmem_shared>> -> memref<32x128xf32, #tpu.memory_space<vmem_shared>>
      %dma_start3A_112 = arith.constant 0 : i32
      %dma_start3A_113 = tpu.memref_slice %arg16[%mul3A_10, %dma_start3A_112] : memref<512x128xf32, #tpu.memory_space<vmem_shared>> -> memref<32x128xf32, #tpu.memory_space<vmem_shared>>
      %dma_start3A_114 = arith.constant 0 : i32
      %dma_start3A_115 = arith.constant 0 : i32
      %dma_start3A_116 = tpu.memref_slice %arg12[%dma_start3A_114, %dma_start3A_115] : memref<128x128xf32, #tpu.memory_space<vmem>> -> memref<32x128xf32, #tpu.memory_space<vmem>>
      tpu.enqueue_dma source(%dma_start3A_116 : memref<32x128xf32, #tpu.memory_space<vmem>>) target(%dma_start3A_113 : memref<32x128xf32, #tpu.memory_space<vmem_shared>>) target_semaphore(%run_scoped3A : memref<!tpu.dma_semaphore, #tpu.memory_space<semaphore_mem>>)
      %dma_wait3A = arith.constant 0 : i32
      %dma_wait3A_117 = arith.constant 0 : i32
      %dma_wait3A_118 = tpu.memref_slice %arg12[%dma_wait3A, %dma_wait3A_117] : memref<128x128xf32, #tpu.memory_space<vmem>> -> memref<32x128xf32, #tpu.memory_space<vmem>>
      %dma_wait3A_119 = arith.constant 0 : i32
      %dma_wait3A_120 = tpu.memref_slice %arg16[%mul3A_10, %dma_wait3A_119] : memref<512x128xf32, #tpu.memory_space<vmem_shared>> -> memref<32x128xf32, #tpu.memory_space<vmem_shared>>
      %dma_wait3A_121 = arith.constant 0 : i32
      %dma_wait3A_122 = tpu.memref_slice %arg16[%mul3A_10, %dma_wait3A_121] : memref<512x128xf32, #tpu.memory_space<vmem_shared>> -> memref<32x128xf32, #tpu.memory_space<vmem_shared>>
      %dma_wait3A_123 = arith.constant 0 : i32
      %dma_wait3A_124 = arith.constant 0 : i32
      %dma_wait3A_125 = tpu.memref_slice %arg12[%dma_wait3A_123, %dma_wait3A_124] : memref<128x128xf32, #tpu.memory_space<vmem>> -> memref<32x128xf32, #tpu.memory_space<vmem>>
      tpu.wait_dma2 semaphore(%run_scoped3A : memref<!tpu.dma_semaphore, #tpu.memory_space<semaphore_mem>>) src(%dma_wait3A_125 : memref<32x128xf32, #tpu.memory_space<vmem>>) dst(%dma_wait3A_122 : memref<32x128xf32, #tpu.memory_space<vmem_shared>>)
      tpu.yield
    }) : () -> ()
    %barrier3A = arith.constant 0 : index
    tpu.barrier barrier_id(%barrier3A)
    %add3A_11 = arith.constant 32 : i32
    %add3A_12 = arith.addi %squeeze3A, %add3A_11 : i32
    %sub3A = arith.constant 1 : i32
    %sub3A_13 = arith.subi %add3A_12, %sub3A : i32
    %jit3A = arith.constant 32 : i32
    %div3A = arith.divsi %sub3A_13, %jit3A : i32
    %sign3A = arith.constant 0 : i32
    %sign3A_14 = arith.cmpi sgt, %sub3A_13, %sign3A : i32
    %sign3A_15 = arith.extui %sign3A_14 : i1 to i32
    %sign3A_16 = arith.constant 0 : i32
    %sign3A_17 = arith.cmpi slt, %sub3A_13, %sign3A_16 : i32
    %sign3A_18 = arith.extui %sign3A_17 : i1 to i32
    %sign3A_19 = arith.subi %sign3A_15, %sign3A_18 : i32
    %sign3A_20 = arith.constant 0 : i32
    %sign3A_21 = arith.cmpi sgt, %jit3A, %sign3A_20 : i32
    %sign3A_22 = arith.extui %sign3A_21 : i1 to i32
    %sign3A_23 = arith.constant 0 : i32
    %sign3A_24 = arith.cmpi slt, %jit3A, %sign3A_23 : i32
    %sign3A_25 = arith.extui %sign3A_24 : i1 to i32
    %sign3A_26 = arith.subi %sign3A_22, %sign3A_25 : i32
    %ne3A = arith.cmpi ne, %sign3A_19, %sign3A_26 : i32
    %rem3A = arith.remsi %sub3A_13, %jit3A : i32
    %ne3A_27 = arith.constant 0 : i32
    %ne3A_28 = arith.cmpi ne, %rem3A, %ne3A_27 : i32
    %and3A = arith.andi %ne3A, %ne3A_28 : i1
    %sub3A_29 = arith.constant 1 : i32
    %sub3A_30 = arith.subi %div3A, %sub3A_29 : i32
    %select_n3A = arith.select %and3A, %sub3A_30, %div3A : i32
    %add3A_31 = arith.constant 7 : i32
    %add3A_32 = arith.addi %select_n3A, %add3A_31 : i32
    %jit3A_33 = arith.constant 8 : i32
    %div3A_34 = arith.divsi %add3A_32, %jit3A_33 : i32
    %sign3A_35 = arith.constant 0 : i32
    %sign3A_36 = arith.cmpi sgt, %add3A_32, %sign3A_35 : i32
    %sign3A_37 = arith.extui %sign3A_36 : i1 to i32
    %sign3A_38 = arith.constant 0 : i32
    %sign3A_39 = arith.cmpi slt, %add3A_32, %sign3A_38 : i32
    %sign3A_40 = arith.extui %sign3A_39 : i1 to i32
    %sign3A_41 = arith.subi %sign3A_37, %sign3A_40 : i32
    %sign3A_42 = arith.constant 0 : i32
    %sign3A_43 = arith.cmpi sgt, %jit3A_33, %sign3A_42 : i32
    %sign3A_44 = arith.extui %sign3A_43 : i1 to i32
    %sign3A_45 = arith.constant 0 : i32
    %sign3A_46 = arith.cmpi slt, %jit3A_33, %sign3A_45 : i32
    %sign3A_47 = arith.extui %sign3A_46 : i1 to i32
    %sign3A_48 = arith.subi %sign3A_44, %sign3A_47 : i32
    %ne3A_49 = arith.cmpi ne, %sign3A_41, %sign3A_48 : i32
    %rem3A_50 = arith.remsi %add3A_32, %jit3A_33 : i32
    %ne3A_51 = arith.constant 0 : i32
    %ne3A_52 = arith.cmpi ne, %rem3A_50, %ne3A_51 : i32
    %and3A_53 = arith.andi %ne3A_49, %ne3A_52 : i1
    %sub3A_54 = arith.constant 1 : i32
    %sub3A_55 = arith.subi %div3A_34, %sub3A_54 : i32
    %select_n3A_56 = arith.select %and3A_53, %sub3A_55, %div3A_34 : i32
    %mul3A_57 = arith.constant 8 : i32
    %mul3A_58 = arith.muli %select_n3A_56, %mul3A_57 : i32
    %mul3A_59 = arith.muli %add3A, %mul3A_58 : i32
    %add3A_60 = arith.addi %mul3A_59, %mul3A_58 : i32
    %min3A = arith.minsi %add3A_60, %squeeze3A : i32
    %sub3A_61 = arith.subi %min3A, %mul3A_59 : i32
    %max3A = arith.constant 0 : i32
    %max3A_62 = arith.maxsi %sub3A_61, %max3A : i32
    %add3A_63 = arith.constant 128 : i32
    %add3A_64 = arith.addi %max3A_62, %add3A_63 : i32
    %sub3A_65 = arith.constant 1 : i32
    %sub3A_66 = arith.subi %add3A_64, %sub3A_65 : i32
    %jit3A_67 = arith.constant 128 : i32
    %div3A_68 = arith.divsi %sub3A_66, %jit3A_67 : i32
    %sign3A_69 = arith.constant 0 : i32
    %sign3A_70 = arith.cmpi sgt, %sub3A_66, %sign3A_69 : i32
    %sign3A_71 = arith.extui %sign3A_70 : i1 to i32
    %sign3A_72 = arith.constant 0 : i32
    %sign3A_73 = arith.cmpi slt, %sub3A_66, %sign3A_72 : i32
    %sign3A_74 = arith.extui %sign3A_73 : i1 to i32
    %sign3A_75 = arith.subi %sign3A_71, %sign3A_74 : i32
    %sign3A_76 = arith.constant 0 : i32
    %sign3A_77 = arith.cmpi sgt, %jit3A_67, %sign3A_76 : i32
    %sign3A_78 = arith.extui %sign3A_77 : i1 to i32
    %sign3A_79 = arith.constant 0 : i32
    %sign3A_80 = arith.cmpi slt, %jit3A_67, %sign3A_79 : i32
    %sign3A_81 = arith.extui %sign3A_80 : i1 to i32
    %sign3A_82 = arith.subi %sign3A_78, %sign3A_81 : i32
    %ne3A_83 = arith.cmpi ne, %sign3A_75, %sign3A_82 : i32
    %rem3A_84 = arith.remsi %sub3A_66, %jit3A_67 : i32
    %ne3A_85 = arith.constant 0 : i32
    %ne3A_86 = arith.cmpi ne, %rem3A_84, %ne3A_85 : i32
    %and3A_87 = arith.andi %ne3A_83, %ne3A_86 : i1
    %sub3A_88 = arith.constant 1 : i32
    %sub3A_89 = arith.subi %div3A_68, %sub3A_88 : i32
    %select_n3A_90 = arith.select %and3A_87, %sub3A_89, %div3A_68 : i32
    %while3A = arith.constant 0 : i32
    %while3A_91 = arith.constant 0 : i32
    %while3A_92 = arith.subi %select_n3A_90, %while3A_91 : i32
    %while3A_93 = arith.addi %while3A_91, %while3A_92 : i32
    %while3A_94 = arith.constant 1 : i32
    %while3A_95 = arith.divsi %while3A_92, %while3A_94 : i32
    %while3A_96 = arith.muli %while3A_95, %while3A_94 : i32
    %while3A_97 = arith.addi %while3A_91, %while3A_96 : i32
    %while3A_98 = arith.constant 1 : i32
    scf.for %while3A_108 = %while3A_91 to %while3A_97 step %while3A_98  : i32 {
      %mul3A_109 = arith.constant 128 : i32
      %mul3A_110 = arith.muli %while3A_108, %mul3A_109 : i32
      %add3A_111 = arith.addi %mul3A_59, %mul3A_110 : i32
      %multiple_of3A = tpu.assume_multiple %add3A_111, 8 : i32
      %dma_start3A = arith.constant 0 : i32
      %dma_start3A_112 = tpu.memref_slice %arg4[%multiple_of3A, %dma_start3A] : memref<321536x128xf32, #tpu.memory_space<hbm>> -> memref<128x128xf32, #tpu.memory_space<hbm>>
      %dma_start3A_113 = arith.constant 0 : i32
      %dma_start3A_114 = tpu.memref_slice %arg4[%multiple_of3A, %dma_start3A_113] : memref<321536x128xf32, #tpu.memory_space<hbm>> -> memref<128x128xf32, #tpu.memory_space<hbm>>
      tpu.enqueue_dma source(%dma_start3A_114 : memref<128x128xf32, #tpu.memory_space<hbm>>) target(%arg14 : memref<128x128xf32, #tpu.memory_space<vmem>>) target_semaphore(%arg19 : memref<!tpu.dma_semaphore, #tpu.memory_space<semaphore_mem>>)
      %dma_start3A_115 = tpu.memref_slice %arg5[%multiple_of3A] : memref<320128xi32, #tpu.memory_space<hbm>> -> memref<128xi32, #tpu.memory_space<hbm>>
      %dma_start3A_116 = tpu.memref_slice %arg5[%multiple_of3A] : memref<320128xi32, #tpu.memory_space<hbm>> -> memref<128xi32, #tpu.memory_space<hbm>>
      tpu.enqueue_dma source(%dma_start3A_116 : memref<128xi32, #tpu.memory_space<hbm>>) target(%arg9 : memref<128xi32, #tpu.memory_space<vmem>>) target_semaphore(%arg20 : memref<!tpu.dma_semaphore, #tpu.memory_space<semaphore_mem>>)
      %dma_start3A_117 = tpu.memref_slice %arg6[%multiple_of3A] : memref<320128xi32, #tpu.memory_space<hbm>> -> memref<128xi32, #tpu.memory_space<hbm>>
      %dma_start3A_118 = tpu.memref_slice %arg6[%multiple_of3A] : memref<320128xi32, #tpu.memory_space<hbm>> -> memref<128xi32, #tpu.memory_space<hbm>>
      tpu.enqueue_dma source(%dma_start3A_118 : memref<128xi32, #tpu.memory_space<hbm>>) target(%arg10 : memref<128xi32, #tpu.memory_space<vmem>>) target_semaphore(%arg21 : memref<!tpu.dma_semaphore, #tpu.memory_space<semaphore_mem>>)
      %dma_wait3A = tpu.memref_slice %arg5[%multiple_of3A] : memref<320128xi32, #tpu.memory_space<hbm>> -> memref<128xi32, #tpu.memory_space<hbm>>
      %dma_wait3A_119 = tpu.memref_slice %arg5[%multiple_of3A] : memref<320128xi32, #tpu.memory_space<hbm>> -> memref<128xi32, #tpu.memory_space<hbm>>
      tpu.wait_dma2 semaphore(%arg20 : memref<!tpu.dma_semaphore, #tpu.memory_space<semaphore_mem>>) src(%dma_wait3A_119 : memref<128xi32, #tpu.memory_space<hbm>>) dst(%arg9 : memref<128xi32, #tpu.memory_space<vmem>>)
      %dma_wait3A_120 = tpu.memref_slice %arg6[%multiple_of3A] : memref<320128xi32, #tpu.memory_space<hbm>> -> memref<128xi32, #tpu.memory_space<hbm>>
      %dma_wait3A_121 = tpu.memref_slice %arg6[%multiple_of3A] : memref<320128xi32, #tpu.memory_space<hbm>> -> memref<128xi32, #tpu.memory_space<hbm>>
      tpu.wait_dma2 semaphore(%arg21 : memref<!tpu.dma_semaphore, #tpu.memory_space<semaphore_mem>>) src(%dma_wait3A_121 : memref<128xi32, #tpu.memory_space<hbm>>) dst(%arg10 : memref<128xi32, #tpu.memory_space<vmem>>)
      %add3A_122 = arith.constant 0 : i32
      %add3A_123 = arith.addi %multiple_of3A, %add3A_122 : i32
      %iota3A = tpu.iota {dimensions = array<i32: 0>} : vector<16xi32>
      %add3A_124 = vector.broadcast %add3A_123 : i32 to vector<16xi32>
      %add3A_125 = arith.addi %add3A_124, %iota3A : vector<16xi32>
      %get3A_126 = arith.constant 0 : index
      %get3A_127 = tpu.vector_load %arg10[%get3A_126] {strides = array<i32>} : memref<128xi32, #tpu.memory_space<vmem>>, vector<16xi32>,
      %get3A_128 = vector.shape_cast %get3A_127 : vector<16xi32> to vector<16xi32>
      %lt3A = vector.broadcast %min3A : i32 to vector<16xi32>
      %lt3A_129 = arith.cmpi slt, %add3A_125, %lt3A : vector<16xi32>
      %jit3A_130 = arith.constant 0 : i32
      %broadcast_in_dim3A_131 = vector.broadcast %jit3A_130 : i32 to vector<16xi32>
      %select_n3A_132 = arith.select %lt3A_129, %get3A_128, %broadcast_in_dim3A_131 : vector<16xi1>, vector<16xi32>
      %swap3A = arith.constant 0 : index
      %swap3A_133 = tpu.vector_load %arg11[%swap3A] {strides = array<i32>} : memref<128xi32, #tpu.memory_space<vmem>>, vector<16xi32>,
      %swap3A_134 = vector.shape_cast %swap3A_133 : vector<16xi32> to vector<16xi32>
      %swap3A_135 = vector.shape_cast %select_n3A_132 : vector<16xi32> to vector<16xi32>
      tpu.vector_store %arg11[%swap3A], %swap3A_135 {strides = array<i32>} : memref<128xi32, #tpu.memory_space<vmem>>, vector<16xi32>,
      %add3A_136 = arith.constant 16 : i32
      %add3A_137 = arith.addi %multiple_of3A, %add3A_136 : i32
      %iota3A_138 = tpu.iota {dimensions = array<i32: 0>} : vector<16xi32>
      %add3A_139 = vector.broadcast %add3A_137 : i32 to vector<16xi32>
      %add3A_140 = arith.addi %add3A_139, %iota3A_138 : vector<16xi32>
      %get3A_141 = arith.constant 16 : index
      %get3A_142 = tpu.vector_load %arg10[%get3A_141] {strides = array<i32>} : memref<128xi32, #tpu.memory_space<vmem>>, vector<16xi32>,
      %get3A_143 = vector.shape_cast %get3A_142 : vector<16xi32> to vector<16xi32>
      %lt3A_144 = vector.broadcast %min3A : i32 to vector<16xi32>
      %lt3A_145 = arith.cmpi slt, %add3A_140, %lt3A_144 : vector<16xi32>
      %jit3A_146 = arith.constant 0 : i32
      %broadcast_in_dim3A_147 = vector.broadcast %jit3A_146 : i32 to vector<16xi32>
      %select_n3A_148 = arith.select %lt3A_145, %get3A_143, %broadcast_in_dim3A_147 : vector<16xi1>, vector<16xi32>
      %swap3A_149 = arith.constant 16 : index
      %swap3A_150 = tpu.vector_load %arg11[%swap3A_149] {strides = array<i32>} : memref<128xi32, #tpu.memory_space<vmem>>, vector<16xi32>,
      %swap3A_151 = vector.shape_cast %swap3A_150 : vector<16xi32> to vector<16xi32>
      %swap3A_152 = vector.shape_cast %select_n3A_148 : vector<16xi32> to vector<16xi32>
      tpu.vector_store %arg11[%swap3A_149], %swap3A_152 {strides = array<i32>} : memref<128xi32, #tpu.memory_space<vmem>>, vector<16xi32>,
      %add3A_153 = arith.constant 32 : i32
      %add3A_154 = arith.addi %multiple_of3A, %add3A_153 : i32
      %iota3A_155 = tpu.iota {dimensions = array<i32: 0>} : vector<16xi32>
      %add3A_156 = vector.broadcast %add3A_154 : i32 to vector<16xi32>
      %add3A_157 = arith.addi %add3A_156, %iota3A_155 : vector<16xi32>
      %get3A_158 = arith.constant 32 : index
      %get3A_159 = tpu.vector_load %arg10[%get3A_158] {strides = array<i32>} : memref<128xi32, #tpu.memory_space<vmem>>, vector<16xi32>,
      %get3A_160 = vector.shape_cast %get3A_159 : vector<16xi32> to vector<16xi32>
      %lt3A_161 = vector.broadcast %min3A : i32 to vector<16xi32>
      %lt3A_162 = arith.cmpi slt, %add3A_157, %lt3A_161 : vector<16xi32>
      %jit3A_163 = arith.constant 0 : i32
      %broadcast_in_dim3A_164 = vector.broadcast %jit3A_163 : i32 to vector<16xi32>
      %select_n3A_165 = arith.select %lt3A_162, %get3A_160, %broadcast_in_dim3A_164 : vector<16xi1>, vector<16xi32>
      %swap3A_166 = arith.constant 32 : index
      %swap3A_167 = tpu.vector_load %arg11[%swap3A_166] {strides = array<i32>} : memref<128xi32, #tpu.memory_space<vmem>>, vector<16xi32>,
      %swap3A_168 = vector.shape_cast %swap3A_167 : vector<16xi32> to vector<16xi32>
      %swap3A_169 = vector.shape_cast %select_n3A_165 : vector<16xi32> to vector<16xi32>
      tpu.vector_store %arg11[%swap3A_166], %swap3A_169 {strides = array<i32>} : memref<128xi32, #tpu.memory_space<vmem>>, vector<16xi32>,
      %add3A_170 = arith.constant 48 : i32
      %add3A_171 = arith.addi %multiple_of3A, %add3A_170 : i32
      %iota3A_172 = tpu.iota {dimensions = array<i32: 0>} : vector<16xi32>
      %add3A_173 = vector.broadcast %add3A_171 : i32 to vector<16xi32>
      %add3A_174 = arith.addi %add3A_173, %iota3A_172 : vector<16xi32>
      %get3A_175 = arith.constant 48 : index
      %get3A_176 = tpu.vector_load %arg10[%get3A_175] {strides = array<i32>} : memref<128xi32, #tpu.memory_space<vmem>>, vector<16xi32>,
      %get3A_177 = vector.shape_cast %get3A_176 : vector<16xi32> to vector<16xi32>
      %lt3A_178 = vector.broadcast %min3A : i32 to vector<16xi32>
      %lt3A_179 = arith.cmpi slt, %add3A_174, %lt3A_178 : vector<16xi32>
      %jit3A_180 = arith.constant 0 : i32
      %broadcast_in_dim3A_181 = vector.broadcast %jit3A_180 : i32 to vector<16xi32>
      %select_n3A_182 = arith.select %lt3A_179, %get3A_177, %broadcast_in_dim3A_181 : vector<16xi1>, vector<16xi32>
      %swap3A_183 = arith.constant 48 : index
      %swap3A_184 = tpu.vector_load %arg11[%swap3A_183] {strides = array<i32>} : memref<128xi32, #tpu.memory_space<vmem>>, vector<16xi32>,
      %swap3A_185 = vector.shape_cast %swap3A_184 : vector<16xi32> to vector<16xi32>
      %swap3A_186 = vector.shape_cast %select_n3A_182 : vector<16xi32> to vector<16xi32>
      tpu.vector_store %arg11[%swap3A_183], %swap3A_186 {strides = array<i32>} : memref<128xi32, #tpu.memory_space<vmem>>, vector<16xi32>,
      %add3A_187 = arith.constant 64 : i32
      %add3A_188 = arith.addi %multiple_of3A, %add3A_187 : i32
      %iota3A_189 = tpu.iota {dimensions = array<i32: 0>} : vector<16xi32>
      %add3A_190 = vector.broadcast %add3A_188 : i32 to vector<16xi32>
      %add3A_191 = arith.addi %add3A_190, %iota3A_189 : vector<16xi32>
      %get3A_192 = arith.constant 64 : index
      %get3A_193 = tpu.vector_load %arg10[%get3A_192] {strides = array<i32>} : memref<128xi32, #tpu.memory_space<vmem>>, vector<16xi32>,
      %get3A_194 = vector.shape_cast %get3A_193 : vector<16xi32> to vector<16xi32>
      %lt3A_195 = vector.broadcast %min3A : i32 to vector<16xi32>
      %lt3A_196 = arith.cmpi slt, %add3A_191, %lt3A_195 : vector<16xi32>
      %jit3A_197 = arith.constant 0 : i32
      %broadcast_in_dim3A_198 = vector.broadcast %jit3A_197 : i32 to vector<16xi32>
      %select_n3A_199 = arith.select %lt3A_196, %get3A_194, %broadcast_in_dim3A_198 : vector<16xi1>, vector<16xi32>
      %swap3A_200 = arith.constant 64 : index
      %swap3A_201 = tpu.vector_load %arg11[%swap3A_200] {strides = array<i32>} : memref<128xi32, #tpu.memory_space<vmem>>, vector<16xi32>,
      %swap3A_202 = vector.shape_cast %swap3A_201 : vector<16xi32> to vector<16xi32>
      %swap3A_203 = vector.shape_cast %select_n3A_199 : vector<16xi32> to vector<16xi32>
      tpu.vector_store %arg11[%swap3A_200], %swap3A_203 {strides = array<i32>} : memref<128xi32, #tpu.memory_space<vmem>>, vector<16xi32>,
      %add3A_204 = arith.constant 80 : i32
      %add3A_205 = arith.addi %multiple_of3A, %add3A_204 : i32
      %iota3A_206 = tpu.iota {dimensions = array<i32: 0>} : vector<16xi32>
      %add3A_207 = vector.broadcast %add3A_205 : i32 to vector<16xi32>
      %add3A_208 = arith.addi %add3A_207, %iota3A_206 : vector<16xi32>
      %get3A_209 = arith.constant 80 : index
      %get3A_210 = tpu.vector_load %arg10[%get3A_209] {strides = array<i32>} : memref<128xi32, #tpu.memory_space<vmem>>, vector<16xi32>,
      %get3A_211 = vector.shape_cast %get3A_210 : vector<16xi32> to vector<16xi32>
      %lt3A_212 = vector.broadcast %min3A : i32 to vector<16xi32>
      %lt3A_213 = arith.cmpi slt, %add3A_208, %lt3A_212 : vector<16xi32>
      %jit3A_214 = arith.constant 0 : i32
      %broadcast_in_dim3A_215 = vector.broadcast %jit3A_214 : i32 to vector<16xi32>
      %select_n3A_216 = arith.select %lt3A_213, %get3A_211, %broadcast_in_dim3A_215 : vector<16xi1>, vector<16xi32>
      %swap3A_217 = arith.constant 80 : index
      %swap3A_218 = tpu.vector_load %arg11[%swap3A_217] {strides = array<i32>} : memref<128xi32, #tpu.memory_space<vmem>>, vector<16xi32>,
      %swap3A_219 = vector.shape_cast %swap3A_218 : vector<16xi32> to vector<16xi32>
      %swap3A_220 = vector.shape_cast %select_n3A_216 : vector<16xi32> to vector<16xi32>
      tpu.vector_store %arg11[%swap3A_217], %swap3A_220 {strides = array<i32>} : memref<128xi32, #tpu.memory_space<vmem>>, vector<16xi32>,
      %add3A_221 = arith.constant 96 : i32
      %add3A_222 = arith.addi %multiple_of3A, %add3A_221 : i32
      %iota3A_223 = tpu.iota {dimensions = array<i32: 0>} : vector<16xi32>
      %add3A_224 = vector.broadcast %add3A_222 : i32 to vector<16xi32>
      %add3A_225 = arith.addi %add3A_224, %iota3A_223 : vector<16xi32>
      %get3A_226 = arith.constant 96 : index
      %get3A_227 = tpu.vector_load %arg10[%get3A_226] {strides = array<i32>} : memref<128xi32, #tpu.memory_space<vmem>>, vector<16xi32>,
      %get3A_228 = vector.shape_cast %get3A_227 : vector<16xi32> to vector<16xi32>
      %lt3A_229 = vector.broadcast %min3A : i32 to vector<16xi32>
      %lt3A_230 = arith.cmpi slt, %add3A_225, %lt3A_229 : vector<16xi32>
      %jit3A_231 = arith.constant 0 : i32
      %broadcast_in_dim3A_232 = vector.broadcast %jit3A_231 : i32 to vector<16xi32>
      %select_n3A_233 = arith.select %lt3A_230, %get3A_228, %broadcast_in_dim3A_232 : vector<16xi1>, vector<16xi32>
      %swap3A_234 = arith.constant 96 : index
      %swap3A_235 = tpu.vector_load %arg11[%swap3A_234] {strides = array<i32>} : memref<128xi32, #tpu.memory_space<vmem>>, vector<16xi32>,
      %swap3A_236 = vector.shape_cast %swap3A_235 : vector<16xi32> to vector<16xi32>
      %swap3A_237 = vector.shape_cast %select_n3A_233 : vector<16xi32> to vector<16xi32>
      tpu.vector_store %arg11[%swap3A_234], %swap3A_237 {strides = array<i32>} : memref<128xi32, #tpu.memory_space<vmem>>, vector<16xi32>,
      %add3A_238 = arith.constant 112 : i32
      %add3A_239 = arith.addi %multiple_of3A, %add3A_238 : i32
      %iota3A_240 = tpu.iota {dimensions = array<i32: 0>} : vector<16xi32>
      %add3A_241 = vector.broadcast %add3A_239 : i32 to vector<16xi32>
      %add3A_242 = arith.addi %add3A_241, %iota3A_240 : vector<16xi32>
      %get3A_243 = arith.constant 112 : index
      %get3A_244 = tpu.vector_load %arg10[%get3A_243] {strides = array<i32>} : memref<128xi32, #tpu.memory_space<vmem>>, vector<16xi32>,
      %get3A_245 = vector.shape_cast %get3A_244 : vector<16xi32> to vector<16xi32>
      %lt3A_246 = vector.broadcast %min3A : i32 to vector<16xi32>
      %lt3A_247 = arith.cmpi slt, %add3A_242, %lt3A_246 : vector<16xi32>
      %jit3A_248 = arith.constant 0 : i32
      %broadcast_in_dim3A_249 = vector.broadcast %jit3A_248 : i32 to vector<16xi32>
      %select_n3A_250 = arith.select %lt3A_247, %get3A_245, %broadcast_in_dim3A_249 : vector<16xi1>, vector<16xi32>
      %swap3A_251 = arith.constant 112 : index
      %swap3A_252 = tpu.vector_load %arg11[%swap3A_251] {strides = array<i32>} : memref<128xi32, #tpu.memory_space<vmem>>, vector<16xi32>,
      %swap3A_253 = vector.shape_cast %swap3A_252 : vector<16xi32> to vector<16xi32>
      %swap3A_254 = vector.shape_cast %select_n3A_250 : vector<16xi32> to vector<16xi32>
      tpu.vector_store %arg11[%swap3A_251], %swap3A_254 {strides = array<i32>} : memref<128xi32, #tpu.memory_space<vmem>>, vector<16xi32>,
      %dma_start3A_255 = arith.constant 0 : i32
      %dma_start3A_256 = arith.constant 0 : i32
      %dma_start3A_257 = tpu.memref_slice %arg2[%dma_start3A_255, %dma_start3A_256] : memref<10000x128xf32, #tpu.memory_space<hbm>> -> memref<10000x128xf32, #tpu.memory_space<hbm>>
      tpu.enqueue_indirect_dma source(%dma_start3A_257 : memref<10000x128xf32, #tpu.memory_space<hbm>>) target(%arg12 : memref<128x128xf32, #tpu.memory_space<vmem>>) offsets(%arg9 : memref<128xi32, #tpu.memory_space<vmem>>) semaphore(%arg17 : memref<!tpu.dma_semaphore, #tpu.memory_space<semaphore_mem>>)
      %dma_start3A_258 = arith.constant 0 : i32
      %dma_start3A_259 = arith.constant 0 : i32
      %dma_start3A_260 = tpu.memref_slice %arg3[%dma_start3A_258, %dma_start3A_259] : memref<512x128xf32, #tpu.memory_space<hbm>> -> memref<512x128xf32, #tpu.memory_space<hbm>>
      tpu.enqueue_indirect_dma source(%dma_start3A_260 : memref<512x128xf32, #tpu.memory_space<hbm>>) target(%arg13 : memref<128x128xf32, #tpu.memory_space<vmem>>) offsets(%arg11 : memref<128xi32, #tpu.memory_space<vmem>>) semaphore(%arg18 : memref<!tpu.dma_semaphore, #tpu.memory_space<semaphore_mem>>)
      %dma_wait3A_261 = arith.constant 0 : i32
      %dma_wait3A_262 = arith.constant 0 : i32
      %dma_wait3A_263 = tpu.memref_slice %arg2[%dma_wait3A_261, %dma_wait3A_262] : memref<10000x128xf32, #tpu.memory_space<hbm>> -> memref<10000x128xf32, #tpu.memory_space<hbm>>
      tpu.wait_indirect_dma semaphore(%arg17 : memref<!tpu.dma_semaphore, #tpu.memory_space<semaphore_mem>>) src(%dma_wait3A_263 : memref<10000x128xf32, #tpu.memory_space<hbm>>) dst(%arg12 : memref<128x128xf32, #tpu.memory_space<vmem>>)
      %dma_wait3A_264 = arith.constant 0 : i32
      %dma_wait3A_265 = arith.constant 0 : i32
      %dma_wait3A_266 = tpu.memref_slice %arg3[%dma_wait3A_264, %dma_wait3A_265] : memref<512x128xf32, #tpu.memory_space<hbm>> -> memref<512x128xf32, #tpu.memory_space<hbm>>
      tpu.wait_indirect_dma semaphore(%arg18 : memref<!tpu.dma_semaphore, #tpu.memory_space<semaphore_mem>>) src(%dma_wait3A_266 : memref<512x128xf32, #tpu.memory_space<hbm>>) dst(%arg13 : memref<128x128xf32, #tpu.memory_space<vmem>>)
      %dma_wait3A_267 = arith.constant 0 : i32
      %dma_wait3A_268 = tpu.memref_slice %arg4[%multiple_of3A, %dma_wait3A_267] : memref<321536x128xf32, #tpu.memory_space<hbm>> -> memref<128x128xf32, #tpu.memory_space<hbm>>
      %dma_wait3A_269 = arith.constant 0 : i32
      %dma_wait3A_270 = tpu.memref_slice %arg4[%multiple_of3A, %dma_wait3A_269] : memref<321536x128xf32, #tpu.memory_space<hbm>> -> memref<128x128xf32, #tpu.memory_space<hbm>>
      tpu.wait_dma2 semaphore(%arg19 : memref<!tpu.dma_semaphore, #tpu.memory_space<semaphore_mem>>) src(%dma_wait3A_270 : memref<128x128xf32, #tpu.memory_space<hbm>>) dst(%arg14 : memref<128x128xf32, #tpu.memory_space<vmem>>)
      %scan3A_271 = arith.constant 0 : i32
      %scan3A_272 = arith.constant 0 : i32
      %scan3A_273 = arith.constant 128 : i32
      %scan3A_274 = arith.addi %scan3A_272, %scan3A_273 : i32
      %scan3A_275 = arith.constant 1 : i32
      scf.for %scan3A_277 = %scan3A_272 to %scan3A_274 step %scan3A_275  : i32 {
        %add3A_278 = arith.addi %multiple_of3A, %scan3A_277 : i32
        %lt3A_279 = arith.cmpi slt, %add3A_278, %min3A : i32
        %get3A_280 = arith.index_cast %scan3A_277 : i32 to index
        %get3A_281 = arith.constant 0 : index
        %get3A_282 = tpu.vector_load %arg12[%get3A_280, %get3A_281] {strides = array<i32>} : memref<128x128xf32, #tpu.memory_space<vmem>>, vector<1x16xf32>,
        %get3A_283 = vector.shape_cast %get3A_282 : vector<1x16xf32> to vector<16xf32>
        %get3A_284 = arith.index_cast %scan3A_277 : i32 to index
        %get3A_285 = arith.constant 0 : index
        %get3A_286 = tpu.vector_load %arg13[%get3A_284, %get3A_285] {strides = array<i32>} : memref<128x128xf32, #tpu.memory_space<vmem>>, vector<1x16xf32>,
        %get3A_287 = vector.shape_cast %get3A_286 : vector<1x16xf32> to vector<16xf32>
        %add3A_288 = arith.addf %get3A_283, %get3A_287 : vector<16xf32>
        %get3A_289 = arith.index_cast %scan3A_277 : i32 to index
        %get3A_290 = arith.constant 0 : index
        %get3A_291 = tpu.vector_load %arg14[%get3A_289, %get3A_290] {strides = array<i32>} : memref<128x128xf32, #tpu.memory_space<vmem>>, vector<1x16xf32>,
        %get3A_292 = vector.shape_cast %get3A_291 : vector<1x16xf32> to vector<16xf32>
        %add3A_293 = arith.addf %add3A_288, %get3A_292 : vector<16xf32>
        %max3A_294 = arith.constant 0.000000e+00 : f32
        %max3A_295 = vector.broadcast %max3A_294 : f32 to vector<16xf32>
        %max3A_296 = arith.maximumf %add3A_293, %max3A_295 : vector<16xf32>
        %jit3A_297 = arith.constant 0.000000e+00 : f32
        %broadcast_in_dim3A_298 = vector.broadcast %jit3A_297 : f32 to vector<16xf32>
        %select_n3A_299 = arith.select %lt3A_279, %max3A_296, %broadcast_in_dim3A_298 : vector<16xf32>
        %swap3A_300 = arith.index_cast %scan3A_277 : i32 to index
        %swap3A_301 = arith.constant 0 : index
        %swap3A_302 = tpu.vector_load %arg12[%swap3A_300, %swap3A_301] {strides = array<i32>} : memref<128x128xf32, #tpu.memory_space<vmem>>, vector<1x16xf32>,
        %swap3A_303 = vector.shape_cast %swap3A_302 : vector<1x16xf32> to vector<16xf32>
        %swap3A_304 = vector.shape_cast %select_n3A_299 : vector<16xf32> to vector<1x16xf32>
        tpu.vector_store %arg12[%swap3A_300, %swap3A_301], %swap3A_304 {strides = array<i32>} : memref<128x128xf32, #tpu.memory_space<vmem>>, vector<1x16xf32>,
        %get3A_305 = arith.index_cast %scan3A_277 : i32 to index
        %get3A_306 = arith.constant 16 : index
        %get3A_307 = tpu.vector_load %arg12[%get3A_305, %get3A_306] {strides = array<i32>} : memref<128x128xf32, #tpu.memory_space<vmem>>, vector<1x16xf32>,
        %get3A_308 = vector.shape_cast %get3A_307 : vector<1x16xf32> to vector<16xf32>
        %get3A_309 = arith.index_cast %scan3A_277 : i32 to index
        %get3A_310 = arith.constant 16 : index
        %get3A_311 = tpu.vector_load %arg13[%get3A_309, %get3A_310] {strides = array<i32>} : memref<128x128xf32, #tpu.memory_space<vmem>>, vector<1x16xf32>,
        %get3A_312 = vector.shape_cast %get3A_311 : vector<1x16xf32> to vector<16xf32>
        %add3A_313 = arith.addf %get3A_308, %get3A_312 : vector<16xf32>
        %get3A_314 = arith.index_cast %scan3A_277 : i32 to index
        %get3A_315 = arith.constant 16 : index
        %get3A_316 = tpu.vector_load %arg14[%get3A_314, %get3A_315] {strides = array<i32>} : memref<128x128xf32, #tpu.memory_space<vmem>>, vector<1x16xf32>,
        %get3A_317 = vector.shape_cast %get3A_316 : vector<1x16xf32> to vector<16xf32>
        %add3A_318 = arith.addf %add3A_313, %get3A_317 : vector<16xf32>
        %max3A_319 = arith.constant 0.000000e+00 : f32
        %max3A_320 = vector.broadcast %max3A_319 : f32 to vector<16xf32>
        %max3A_321 = arith.maximumf %add3A_318, %max3A_320 : vector<16xf32>
        %jit3A_322 = arith.constant 0.000000e+00 : f32
        %broadcast_in_dim3A_323 = vector.broadcast %jit3A_322 : f32 to vector<16xf32>
        %select_n3A_324 = arith.select %lt3A_279, %max3A_321, %broadcast_in_dim3A_323 : vector<16xf32>
        %swap3A_325 = arith.index_cast %scan3A_277 : i32 to index
        %swap3A_326 = arith.constant 16 : index
        %swap3A_327 = tpu.vector_load %arg12[%swap3A_325, %swap3A_326] {strides = array<i32>} : memref<128x128xf32, #tpu.memory_space<vmem>>, vector<1x16xf32>,
        %swap3A_328 = vector.shape_cast %swap3A_327 : vector<1x16xf32> to vector<16xf32>
        %swap3A_329 = vector.shape_cast %select_n3A_324 : vector<16xf32> to vector<1x16xf32>
        tpu.vector_store %arg12[%swap3A_325, %swap3A_326], %swap3A_329 {strides = array<i32>} : memref<128x128xf32, #tpu.memory_space<vmem>>, vector<1x16xf32>,
        %get3A_330 = arith.index_cast %scan3A_277 : i32 to index
        %get3A_331 = arith.constant 32 : index
        %get3A_332 = tpu.vector_load %arg12[%get3A_330, %get3A_331] {strides = array<i32>} : memref<128x128xf32, #tpu.memory_space<vmem>>, vector<1x16xf32>,
        %get3A_333 = vector.shape_cast %get3A_332 : vector<1x16xf32> to vector<16xf32>
        %get3A_334 = arith.index_cast %scan3A_277 : i32 to index
        %get3A_335 = arith.constant 32 : index
        %get3A_336 = tpu.vector_load %arg13[%get3A_334, %get3A_335] {strides = array<i32>} : memref<128x128xf32, #tpu.memory_space<vmem>>, vector<1x16xf32>,
        %get3A_337 = vector.shape_cast %get3A_336 : vector<1x16xf32> to vector<16xf32>
        %add3A_338 = arith.addf %get3A_333, %get3A_337 : vector<16xf32>
        %get3A_339 = arith.index_cast %scan3A_277 : i32 to index
        %get3A_340 = arith.constant 32 : index
        %get3A_341 = tpu.vector_load %arg14[%get3A_339, %get3A_340] {strides = array<i32>} : memref<128x128xf32, #tpu.memory_space<vmem>>, vector<1x16xf32>,
        %get3A_342 = vector.shape_cast %get3A_341 : vector<1x16xf32> to vector<16xf32>
        %add3A_343 = arith.addf %add3A_338, %get3A_342 : vector<16xf32>
        %max3A_344 = arith.constant 0.000000e+00 : f32
        %max3A_345 = vector.broadcast %max3A_344 : f32 to vector<16xf32>
        %max3A_346 = arith.maximumf %add3A_343, %max3A_345 : vector<16xf32>
        %jit3A_347 = arith.constant 0.000000e+00 : f32
        %broadcast_in_dim3A_348 = vector.broadcast %jit3A_347 : f32 to vector<16xf32>
        %select_n3A_349 = arith.select %lt3A_279, %max3A_346, %broadcast_in_dim3A_348 : vector<16xf32>
        %swap3A_350 = arith.index_cast %scan3A_277 : i32 to index
        %swap3A_351 = arith.constant 32 : index
        %swap3A_352 = tpu.vector_load %arg12[%swap3A_350, %swap3A_351] {strides = array<i32>} : memref<128x128xf32, #tpu.memory_space<vmem>>, vector<1x16xf32>,
        %swap3A_353 = vector.shape_cast %swap3A_352 : vector<1x16xf32> to vector<16xf32>
        %swap3A_354 = vector.shape_cast %select_n3A_349 : vector<16xf32> to vector<1x16xf32>
        tpu.vector_store %arg12[%swap3A_350, %swap3A_351], %swap3A_354 {strides = array<i32>} : memref<128x128xf32, #tpu.memory_space<vmem>>, vector<1x16xf32>,
        %get3A_355 = arith.index_cast %scan3A_277 : i32 to index
        %get3A_356 = arith.constant 48 : index
        %get3A_357 = tpu.vector_load %arg12[%get3A_355, %get3A_356] {strides = array<i32>} : memref<128x128xf32, #tpu.memory_space<vmem>>, vector<1x16xf32>,
        %get3A_358 = vector.shape_cast %get3A_357 : vector<1x16xf32> to vector<16xf32>
        %get3A_359 = arith.index_cast %scan3A_277 : i32 to index
        %get3A_360 = arith.constant 48 : index
        %get3A_361 = tpu.vector_load %arg13[%get3A_359, %get3A_360] {strides = array<i32>} : memref<128x128xf32, #tpu.memory_space<vmem>>, vector<1x16xf32>,
        %get3A_362 = vector.shape_cast %get3A_361 : vector<1x16xf32> to vector<16xf32>
        %add3A_363 = arith.addf %get3A_358, %get3A_362 : vector<16xf32>
        %get3A_364 = arith.index_cast %scan3A_277 : i32 to index
        %get3A_365 = arith.constant 48 : index
        %get3A_366 = tpu.vector_load %arg14[%get3A_364, %get3A_365] {strides = array<i32>} : memref<128x128xf32, #tpu.memory_space<vmem>>, vector<1x16xf32>,
        %get3A_367 = vector.shape_cast %get3A_366 : vector<1x16xf32> to vector<16xf32>
        %add3A_368 = arith.addf %add3A_363, %get3A_367 : vector<16xf32>
        %max3A_369 = arith.constant 0.000000e+00 : f32
        %max3A_370 = vector.broadcast %max3A_369 : f32 to vector<16xf32>
        %max3A_371 = arith.maximumf %add3A_368, %max3A_370 : vector<16xf32>
        %jit3A_372 = arith.constant 0.000000e+00 : f32
        %broadcast_in_dim3A_373 = vector.broadcast %jit3A_372 : f32 to vector<16xf32>
        %select_n3A_374 = arith.select %lt3A_279, %max3A_371, %broadcast_in_dim3A_373 : vector<16xf32>
        %swap3A_375 = arith.index_cast %scan3A_277 : i32 to index
        %swap3A_376 = arith.constant 48 : index
        %swap3A_377 = tpu.vector_load %arg12[%swap3A_375, %swap3A_376] {strides = array<i32>} : memref<128x128xf32, #tpu.memory_space<vmem>>, vector<1x16xf32>,
        %swap3A_378 = vector.shape_cast %swap3A_377 : vector<1x16xf32> to vector<16xf32>
        %swap3A_379 = vector.shape_cast %select_n3A_374 : vector<16xf32> to vector<1x16xf32>
        tpu.vector_store %arg12[%swap3A_375, %swap3A_376], %swap3A_379 {strides = array<i32>} : memref<128x128xf32, #tpu.memory_space<vmem>>, vector<1x16xf32>,
        %get3A_380 = arith.index_cast %scan3A_277 : i32 to index
        %get3A_381 = arith.constant 64 : index
        %get3A_382 = tpu.vector_load %arg12[%get3A_380, %get3A_381] {strides = array<i32>} : memref<128x128xf32, #tpu.memory_space<vmem>>, vector<1x16xf32>,
        %get3A_383 = vector.shape_cast %get3A_382 : vector<1x16xf32> to vector<16xf32>
        %get3A_384 = arith.index_cast %scan3A_277 : i32 to index
        %get3A_385 = arith.constant 64 : index
        %get3A_386 = tpu.vector_load %arg13[%get3A_384, %get3A_385] {strides = array<i32>} : memref<128x128xf32, #tpu.memory_space<vmem>>, vector<1x16xf32>,
        %get3A_387 = vector.shape_cast %get3A_386 : vector<1x16xf32> to vector<16xf32>
        %add3A_388 = arith.addf %get3A_383, %get3A_387 : vector<16xf32>
        %get3A_389 = arith.index_cast %scan3A_277 : i32 to index
        %get3A_390 = arith.constant 64 : index
        %get3A_391 = tpu.vector_load %arg14[%get3A_389, %get3A_390] {strides = array<i32>} : memref<128x128xf32, #tpu.memory_space<vmem>>, vector<1x16xf32>,
        %get3A_392 = vector.shape_cast %get3A_391 : vector<1x16xf32> to vector<16xf32>
        %add3A_393 = arith.addf %add3A_388, %get3A_392 : vector<16xf32>
        %max3A_394 = arith.constant 0.000000e+00 : f32
        %max3A_395 = vector.broadcast %max3A_394 : f32 to vector<16xf32>
        %max3A_396 = arith.maximumf %add3A_393, %max3A_395 : vector<16xf32>
        %jit3A_397 = arith.constant 0.000000e+00 : f32
        %broadcast_in_dim3A_398 = vector.broadcast %jit3A_397 : f32 to vector<16xf32>
        %select_n3A_399 = arith.select %lt3A_279, %max3A_396, %broadcast_in_dim3A_398 : vector<16xf32>
        %swap3A_400 = arith.index_cast %scan3A_277 : i32 to index
        %swap3A_401 = arith.constant 64 : index
        %swap3A_402 = tpu.vector_load %arg12[%swap3A_400, %swap3A_401] {strides = array<i32>} : memref<128x128xf32, #tpu.memory_space<vmem>>, vector<1x16xf32>,
        %swap3A_403 = vector.shape_cast %swap3A_402 : vector<1x16xf32> to vector<16xf32>
        %swap3A_404 = vector.shape_cast %select_n3A_399 : vector<16xf32> to vector<1x16xf32>
        tpu.vector_store %arg12[%swap3A_400, %swap3A_401], %swap3A_404 {strides = array<i32>} : memref<128x128xf32, #tpu.memory_space<vmem>>, vector<1x16xf32>,
        %get3A_405 = arith.index_cast %scan3A_277 : i32 to index
        %get3A_406 = arith.constant 80 : index
        %get3A_407 = tpu.vector_load %arg12[%get3A_405, %get3A_406] {strides = array<i32>} : memref<128x128xf32, #tpu.memory_space<vmem>>, vector<1x16xf32>,
        %get3A_408 = vector.shape_cast %get3A_407 : vector<1x16xf32> to vector<16xf32>
        %get3A_409 = arith.index_cast %scan3A_277 : i32 to index
        %get3A_410 = arith.constant 80 : index
        %get3A_411 = tpu.vector_load %arg13[%get3A_409, %get3A_410] {strides = array<i32>} : memref<128x128xf32, #tpu.memory_space<vmem>>, vector<1x16xf32>,
        %get3A_412 = vector.shape_cast %get3A_411 : vector<1x16xf32> to vector<16xf32>
        %add3A_413 = arith.addf %get3A_408, %get3A_412 : vector<16xf32>
        %get3A_414 = arith.index_cast %scan3A_277 : i32 to index
        %get3A_415 = arith.constant 80 : index
        %get3A_416 = tpu.vector_load %arg14[%get3A_414, %get3A_415] {strides = array<i32>} : memref<128x128xf32, #tpu.memory_space<vmem>>, vector<1x16xf32>,
        %get3A_417 = vector.shape_cast %get3A_416 : vector<1x16xf32> to vector<16xf32>
        %add3A_418 = arith.addf %add3A_413, %get3A_417 : vector<16xf32>
        %max3A_419 = arith.constant 0.000000e+00 : f32
        %max3A_420 = vector.broadcast %max3A_419 : f32 to vector<16xf32>
        %max3A_421 = arith.maximumf %add3A_418, %max3A_420 : vector<16xf32>
        %jit3A_422 = arith.constant 0.000000e+00 : f32
        %broadcast_in_dim3A_423 = vector.broadcast %jit3A_422 : f32 to vector<16xf32>
        %select_n3A_424 = arith.select %lt3A_279, %max3A_421, %broadcast_in_dim3A_423 : vector<16xf32>
        %swap3A_425 = arith.index_cast %scan3A_277 : i32 to index
        %swap3A_426 = arith.constant 80 : index
        %swap3A_427 = tpu.vector_load %arg12[%swap3A_425, %swap3A_426] {strides = array<i32>} : memref<128x128xf32, #tpu.memory_space<vmem>>, vector<1x16xf32>,
        %swap3A_428 = vector.shape_cast %swap3A_427 : vector<1x16xf32> to vector<16xf32>
        %swap3A_429 = vector.shape_cast %select_n3A_424 : vector<16xf32> to vector<1x16xf32>
        tpu.vector_store %arg12[%swap3A_425, %swap3A_426], %swap3A_429 {strides = array<i32>} : memref<128x128xf32, #tpu.memory_space<vmem>>, vector<1x16xf32>,
        %get3A_430 = arith.index_cast %scan3A_277 : i32 to index
        %get3A_431 = arith.constant 96 : index
        %get3A_432 = tpu.vector_load %arg12[%get3A_430, %get3A_431] {strides = array<i32>} : memref<128x128xf32, #tpu.memory_space<vmem>>, vector<1x16xf32>,
        %get3A_433 = vector.shape_cast %get3A_432 : vector<1x16xf32> to vector<16xf32>
        %get3A_434 = arith.index_cast %scan3A_277 : i32 to index
        %get3A_435 = arith.constant 96 : index
        %get3A_436 = tpu.vector_load %arg13[%get3A_434, %get3A_435] {strides = array<i32>} : memref<128x128xf32, #tpu.memory_space<vmem>>, vector<1x16xf32>,
        %get3A_437 = vector.shape_cast %get3A_436 : vector<1x16xf32> to vector<16xf32>
        %add3A_438 = arith.addf %get3A_433, %get3A_437 : vector<16xf32>
        %get3A_439 = arith.index_cast %scan3A_277 : i32 to index
        %get3A_440 = arith.constant 96 : index
        %get3A_441 = tpu.vector_load %arg14[%get3A_439, %get3A_440] {strides = array<i32>} : memref<128x128xf32, #tpu.memory_space<vmem>>, vector<1x16xf32>,
        %get3A_442 = vector.shape_cast %get3A_441 : vector<1x16xf32> to vector<16xf32>
        %add3A_443 = arith.addf %add3A_438, %get3A_442 : vector<16xf32>
        %max3A_444 = arith.constant 0.000000e+00 : f32
        %max3A_445 = vector.broadcast %max3A_444 : f32 to vector<16xf32>
        %max3A_446 = arith.maximumf %add3A_443, %max3A_445 : vector<16xf32>
        %jit3A_447 = arith.constant 0.000000e+00 : f32
        %broadcast_in_dim3A_448 = vector.broadcast %jit3A_447 : f32 to vector<16xf32>
        %select_n3A_449 = arith.select %lt3A_279, %max3A_446, %broadcast_in_dim3A_448 : vector<16xf32>
        %swap3A_450 = arith.index_cast %scan3A_277 : i32 to index
        %swap3A_451 = arith.constant 96 : index
        %swap3A_452 = tpu.vector_load %arg12[%swap3A_450, %swap3A_451] {strides = array<i32>} : memref<128x128xf32, #tpu.memory_space<vmem>>, vector<1x16xf32>,
        %swap3A_453 = vector.shape_cast %swap3A_452 : vector<1x16xf32> to vector<16xf32>
        %swap3A_454 = vector.shape_cast %select_n3A_449 : vector<16xf32> to vector<1x16xf32>
        tpu.vector_store %arg12[%swap3A_450, %swap3A_451], %swap3A_454 {strides = array<i32>} : memref<128x128xf32, #tpu.memory_space<vmem>>, vector<1x16xf32>,
        %get3A_455 = arith.index_cast %scan3A_277 : i32 to index
        %get3A_456 = arith.constant 112 : index
        %get3A_457 = tpu.vector_load %arg12[%get3A_455, %get3A_456] {strides = array<i32>} : memref<128x128xf32, #tpu.memory_space<vmem>>, vector<1x16xf32>,
        %get3A_458 = vector.shape_cast %get3A_457 : vector<1x16xf32> to vector<16xf32>
        %get3A_459 = arith.index_cast %scan3A_277 : i32 to index
        %get3A_460 = arith.constant 112 : index
        %get3A_461 = tpu.vector_load %arg13[%get3A_459, %get3A_460] {strides = array<i32>} : memref<128x128xf32, #tpu.memory_space<vmem>>, vector<1x16xf32>,
        %get3A_462 = vector.shape_cast %get3A_461 : vector<1x16xf32> to vector<16xf32>
        %add3A_463 = arith.addf %get3A_458, %get3A_462 : vector<16xf32>
        %get3A_464 = arith.index_cast %scan3A_277 : i32 to index
        %get3A_465 = arith.constant 112 : index
        %get3A_466 = tpu.vector_load %arg14[%get3A_464, %get3A_465] {strides = array<i32>} : memref<128x128xf32, #tpu.memory_space<vmem>>, vector<1x16xf32>,
        %get3A_467 = vector.shape_cast %get3A_466 : vector<1x16xf32> to vector<16xf32>
        %add3A_468 = arith.addf %add3A_463, %get3A_467 : vector<16xf32>
        %max3A_469 = arith.constant 0.000000e+00 : f32
        %max3A_470 = vector.broadcast %max3A_469 : f32 to vector<16xf32>
        %max3A_471 = arith.maximumf %add3A_468, %max3A_470 : vector<16xf32>
        %jit3A_472 = arith.constant 0.000000e+00 : f32
        %broadcast_in_dim3A_473 = vector.broadcast %jit3A_472 : f32 to vector<16xf32>
        %select_n3A_474 = arith.select %lt3A_279, %max3A_471, %broadcast_in_dim3A_473 : vector<16xf32>
        %swap3A_475 = arith.index_cast %scan3A_277 : i32 to index
        %swap3A_476 = arith.constant 112 : index
        %swap3A_477 = tpu.vector_load %arg12[%swap3A_475, %swap3A_476] {strides = array<i32>} : memref<128x128xf32, #tpu.memory_space<vmem>>, vector<1x16xf32>,
        %swap3A_478 = vector.shape_cast %swap3A_477 : vector<1x16xf32> to vector<16xf32>
        %swap3A_479 = vector.shape_cast %select_n3A_474 : vector<16xf32> to vector<1x16xf32>
        tpu.vector_store %arg12[%swap3A_475, %swap3A_476], %swap3A_479 {strides = array<i32>} : memref<128x128xf32, #tpu.memory_space<vmem>>, vector<1x16xf32>,
      }
      %scan3A_276 = arith.constant 128 : i32
      "tpu.region"() ({
        %run_scoped3A = tpu.sem_alloc : memref<!tpu.dma_semaphore, #tpu.memory_space<semaphore_mem>>
        %dma_start3A_277 = arith.constant 0 : i32
        %dma_start3A_278 = arith.constant 0 : i32
        %dma_start3A_279 = tpu.memref_slice %arg16[%dma_start3A_277, %dma_start3A_278] : memref<512x128xf32, #tpu.memory_space<vmem_shared>> -> memref<512x128xf32, #tpu.memory_space<vmem_shared>>
        tpu.enqueue_indirect_dma source(%arg12 : memref<128x128xf32, #tpu.memory_space<vmem>>) target(%dma_start3A_279 : memref<512x128xf32, #tpu.memory_space<vmem_shared>>) offsets(%arg11 : memref<128xi32, #tpu.memory_space<vmem>>) semaphore(%run_scoped3A : memref<!tpu.dma_semaphore, #tpu.memory_space<semaphore_mem>>) {add = true}
        %dma_wait3A_280 = arith.constant 0 : i32
        %dma_wait3A_281 = arith.constant 0 : i32
        %dma_wait3A_282 = tpu.memref_slice %arg16[%dma_wait3A_280, %dma_wait3A_281] : memref<512x128xf32, #tpu.memory_space<vmem_shared>> -> memref<512x128xf32, #tpu.memory_space<vmem_shared>>
        tpu.wait_indirect_dma semaphore(%run_scoped3A : memref<!tpu.dma_semaphore, #tpu.memory_space<semaphore_mem>>) src(%arg12 : memref<128x128xf32, #tpu.memory_space<vmem>>) dst(%dma_wait3A_282 : memref<512x128xf32, #tpu.memory_space<vmem_shared>>)
        tpu.yield
      }) : () -> ()
    }
    %while3A_99 = arith.constant 1 : i32
    scf.for %while3A_108 = %while3A_97 to %while3A_93 step %while3A_99  : i32 {
      %mul3A_109 = arith.constant 128 : i32
      %mul3A_110 = arith.muli %while3A_108, %mul3A_109 : i32
      %add3A_111 = arith.addi %mul3A_59, %mul3A_110 : i32
      %multiple_of3A = tpu.assume_multiple %add3A_111, 8 : i32
      %dma_start3A = arith.constant 0 : i32
      %dma_start3A_112 = tpu.memref_slice %arg4[%multiple_of3A, %dma_start3A] : memref<321536x128xf32, #tpu.memory_space<hbm>> -> memref<128x128xf32, #tpu.memory_space<hbm>>
      %dma_start3A_113 = arith.constant 0 : i32
      %dma_start3A_114 = tpu.memref_slice %arg4[%multiple_of3A, %dma_start3A_113] : memref<321536x128xf32, #tpu.memory_space<hbm>> -> memref<128x128xf32, #tpu.memory_space<hbm>>
      tpu.enqueue_dma source(%dma_start3A_114 : memref<128x128xf32, #tpu.memory_space<hbm>>) target(%arg14 : memref<128x128xf32, #tpu.memory_space<vmem>>) target_semaphore(%arg19 : memref<!tpu.dma_semaphore, #tpu.memory_space<semaphore_mem>>)
      %dma_start3A_115 = tpu.memref_slice %arg5[%multiple_of3A] : memref<320128xi32, #tpu.memory_space<hbm>> -> memref<128xi32, #tpu.memory_space<hbm>>
      %dma_start3A_116 = tpu.memref_slice %arg5[%multiple_of3A] : memref<320128xi32, #tpu.memory_space<hbm>> -> memref<128xi32, #tpu.memory_space<hbm>>
      tpu.enqueue_dma source(%dma_start3A_116 : memref<128xi32, #tpu.memory_space<hbm>>) target(%arg9 : memref<128xi32, #tpu.memory_space<vmem>>) target_semaphore(%arg20 : memref<!tpu.dma_semaphore, #tpu.memory_space<semaphore_mem>>)
      %dma_start3A_117 = tpu.memref_slice %arg6[%multiple_of3A] : memref<320128xi32, #tpu.memory_space<hbm>> -> memref<128xi32, #tpu.memory_space<hbm>>
      %dma_start3A_118 = tpu.memref_slice %arg6[%multiple_of3A] : memref<320128xi32, #tpu.memory_space<hbm>> -> memref<128xi32, #tpu.memory_space<hbm>>
      tpu.enqueue_dma source(%dma_start3A_118 : memref<128xi32, #tpu.memory_space<hbm>>) target(%arg10 : memref<128xi32, #tpu.memory_space<vmem>>) target_semaphore(%arg21 : memref<!tpu.dma_semaphore, #tpu.memory_space<semaphore_mem>>)
      %dma_wait3A = tpu.memref_slice %arg5[%multiple_of3A] : memref<320128xi32, #tpu.memory_space<hbm>> -> memref<128xi32, #tpu.memory_space<hbm>>
      %dma_wait3A_119 = tpu.memref_slice %arg5[%multiple_of3A] : memref<320128xi32, #tpu.memory_space<hbm>> -> memref<128xi32, #tpu.memory_space<hbm>>
      tpu.wait_dma2 semaphore(%arg20 : memref<!tpu.dma_semaphore, #tpu.memory_space<semaphore_mem>>) src(%dma_wait3A_119 : memref<128xi32, #tpu.memory_space<hbm>>) dst(%arg9 : memref<128xi32, #tpu.memory_space<vmem>>)
      %dma_wait3A_120 = tpu.memref_slice %arg6[%multiple_of3A] : memref<320128xi32, #tpu.memory_space<hbm>> -> memref<128xi32, #tpu.memory_space<hbm>>
      %dma_wait3A_121 = tpu.memref_slice %arg6[%multiple_of3A] : memref<320128xi32, #tpu.memory_space<hbm>> -> memref<128xi32, #tpu.memory_space<hbm>>
      tpu.wait_dma2 semaphore(%arg21 : memref<!tpu.dma_semaphore, #tpu.memory_space<semaphore_mem>>) src(%dma_wait3A_121 : memref<128xi32, #tpu.memory_space<hbm>>) dst(%arg10 : memref<128xi32, #tpu.memory_space<vmem>>)
      %add3A_122 = arith.constant 0 : i32
      %add3A_123 = arith.addi %multiple_of3A, %add3A_122 : i32
      %iota3A = tpu.iota {dimensions = array<i32: 0>} : vector<16xi32>
      %add3A_124 = vector.broadcast %add3A_123 : i32 to vector<16xi32>
      %add3A_125 = arith.addi %add3A_124, %iota3A : vector<16xi32>
      %get3A_126 = arith.constant 0 : index
      %get3A_127 = tpu.vector_load %arg10[%get3A_126] {strides = array<i32>} : memref<128xi32, #tpu.memory_space<vmem>>, vector<16xi32>,
      %get3A_128 = vector.shape_cast %get3A_127 : vector<16xi32> to vector<16xi32>
      %lt3A = vector.broadcast %min3A : i32 to vector<16xi32>
      %lt3A_129 = arith.cmpi slt, %add3A_125, %lt3A : vector<16xi32>
      %jit3A_130 = arith.constant 0 : i32
      %broadcast_in_dim3A_131 = vector.broadcast %jit3A_130 : i32 to vector<16xi32>
      %select_n3A_132 = arith.select %lt3A_129, %get3A_128, %broadcast_in_dim3A_131 : vector<16xi1>, vector<16xi32>
      %swap3A = arith.constant 0 : index
      %swap3A_133 = tpu.vector_load %arg11[%swap3A] {strides = array<i32>} : memref<128xi32, #tpu.memory_space<vmem>>, vector<16xi32>,
      %swap3A_134 = vector.shape_cast %swap3A_133 : vector<16xi32> to vector<16xi32>
      %swap3A_135 = vector.shape_cast %select_n3A_132 : vector<16xi32> to vector<16xi32>
      tpu.vector_store %arg11[%swap3A], %swap3A_135 {strides = array<i32>} : memref<128xi32, #tpu.memory_space<vmem>>, vector<16xi32>,
      %add3A_136 = arith.constant 16 : i32
      %add3A_137 = arith.addi %multiple_of3A, %add3A_136 : i32
      %iota3A_138 = tpu.iota {dimensions = array<i32: 0>} : vector<16xi32>
      %add3A_139 = vector.broadcast %add3A_137 : i32 to vector<16xi32>
      %add3A_140 = arith.addi %add3A_139, %iota3A_138 : vector<16xi32>
      %get3A_141 = arith.constant 16 : index
      %get3A_142 = tpu.vector_load %arg10[%get3A_141] {strides = array<i32>} : memref<128xi32, #tpu.memory_space<vmem>>, vector<16xi32>,
      %get3A_143 = vector.shape_cast %get3A_142 : vector<16xi32> to vector<16xi32>
      %lt3A_144 = vector.broadcast %min3A : i32 to vector<16xi32>
      %lt3A_145 = arith.cmpi slt, %add3A_140, %lt3A_144 : vector<16xi32>
      %jit3A_146 = arith.constant 0 : i32
      %broadcast_in_dim3A_147 = vector.broadcast %jit3A_146 : i32 to vector<16xi32>
      %select_n3A_148 = arith.select %lt3A_145, %get3A_143, %broadcast_in_dim3A_147 : vector<16xi1>, vector<16xi32>
      %swap3A_149 = arith.constant 16 : index
      %swap3A_150 = tpu.vector_load %arg11[%swap3A_149] {strides = array<i32>} : memref<128xi32, #tpu.memory_space<vmem>>, vector<16xi32>,
      %swap3A_151 = vector.shape_cast %swap3A_150 : vector<16xi32> to vector<16xi32>
      %swap3A_152 = vector.shape_cast %select_n3A_148 : vector<16xi32> to vector<16xi32>
      tpu.vector_store %arg11[%swap3A_149], %swap3A_152 {strides = array<i32>} : memref<128xi32, #tpu.memory_space<vmem>>, vector<16xi32>,
      %add3A_153 = arith.constant 32 : i32
      %add3A_154 = arith.addi %multiple_of3A, %add3A_153 : i32
      %iota3A_155 = tpu.iota {dimensions = array<i32: 0>} : vector<16xi32>
      %add3A_156 = vector.broadcast %add3A_154 : i32 to vector<16xi32>
      %add3A_157 = arith.addi %add3A_156, %iota3A_155 : vector<16xi32>
      %get3A_158 = arith.constant 32 : index
      %get3A_159 = tpu.vector_load %arg10[%get3A_158] {strides = array<i32>} : memref<128xi32, #tpu.memory_space<vmem>>, vector<16xi32>,
      %get3A_160 = vector.shape_cast %get3A_159 : vector<16xi32> to vector<16xi32>
      %lt3A_161 = vector.broadcast %min3A : i32 to vector<16xi32>
      %lt3A_162 = arith.cmpi slt, %add3A_157, %lt3A_161 : vector<16xi32>
      %jit3A_163 = arith.constant 0 : i32
      %broadcast_in_dim3A_164 = vector.broadcast %jit3A_163 : i32 to vector<16xi32>
      %select_n3A_165 = arith.select %lt3A_162, %get3A_160, %broadcast_in_dim3A_164 : vector<16xi1>, vector<16xi32>
      %swap3A_166 = arith.constant 32 : index
      %swap3A_167 = tpu.vector_load %arg11[%swap3A_166] {strides = array<i32>} : memref<128xi32, #tpu.memory_space<vmem>>, vector<16xi32>,
      %swap3A_168 = vector.shape_cast %swap3A_167 : vector<16xi32> to vector<16xi32>
      %swap3A_169 = vector.shape_cast %select_n3A_165 : vector<16xi32> to vector<16xi32>
      tpu.vector_store %arg11[%swap3A_166], %swap3A_169 {strides = array<i32>} : memref<128xi32, #tpu.memory_space<vmem>>, vector<16xi32>,
      %add3A_170 = arith.constant 48 : i32
      %add3A_171 = arith.addi %multiple_of3A, %add3A_170 : i32
      %iota3A_172 = tpu.iota {dimensions = array<i32: 0>} : vector<16xi32>
      %add3A_173 = vector.broadcast %add3A_171 : i32 to vector<16xi32>
      %add3A_174 = arith.addi %add3A_173, %iota3A_172 : vector<16xi32>
      %get3A_175 = arith.constant 48 : index
      %get3A_176 = tpu.vector_load %arg10[%get3A_175] {strides = array<i32>} : memref<128xi32, #tpu.memory_space<vmem>>, vector<16xi32>,
      %get3A_177 = vector.shape_cast %get3A_176 : vector<16xi32> to vector<16xi32>
      %lt3A_178 = vector.broadcast %min3A : i32 to vector<16xi32>
      %lt3A_179 = arith.cmpi slt, %add3A_174, %lt3A_178 : vector<16xi32>
      %jit3A_180 = arith.constant 0 : i32
      %broadcast_in_dim3A_181 = vector.broadcast %jit3A_180 : i32 to vector<16xi32>
      %select_n3A_182 = arith.select %lt3A_179, %get3A_177, %broadcast_in_dim3A_181 : vector<16xi1>, vector<16xi32>
      %swap3A_183 = arith.constant 48 : index
      %swap3A_184 = tpu.vector_load %arg11[%swap3A_183] {strides = array<i32>} : memref<128xi32, #tpu.memory_space<vmem>>, vector<16xi32>,
      %swap3A_185 = vector.shape_cast %swap3A_184 : vector<16xi32> to vector<16xi32>
      %swap3A_186 = vector.shape_cast %select_n3A_182 : vector<16xi32> to vector<16xi32>
      tpu.vector_store %arg11[%swap3A_183], %swap3A_186 {strides = array<i32>} : memref<128xi32, #tpu.memory_space<vmem>>, vector<16xi32>,
      %add3A_187 = arith.constant 64 : i32
      %add3A_188 = arith.addi %multiple_of3A, %add3A_187 : i32
      %iota3A_189 = tpu.iota {dimensions = array<i32: 0>} : vector<16xi32>
      %add3A_190 = vector.broadcast %add3A_188 : i32 to vector<16xi32>
      %add3A_191 = arith.addi %add3A_190, %iota3A_189 : vector<16xi32>
      %get3A_192 = arith.constant 64 : index
      %get3A_193 = tpu.vector_load %arg10[%get3A_192] {strides = array<i32>} : memref<128xi32, #tpu.memory_space<vmem>>, vector<16xi32>,
      %get3A_194 = vector.shape_cast %get3A_193 : vector<16xi32> to vector<16xi32>
      %lt3A_195 = vector.broadcast %min3A : i32 to vector<16xi32>
      %lt3A_196 = arith.cmpi slt, %add3A_191, %lt3A_195 : vector<16xi32>
      %jit3A_197 = arith.constant 0 : i32
      %broadcast_in_dim3A_198 = vector.broadcast %jit3A_197 : i32 to vector<16xi32>
      %select_n3A_199 = arith.select %lt3A_196, %get3A_194, %broadcast_in_dim3A_198 : vector<16xi1>, vector<16xi32>
      %swap3A_200 = arith.constant 64 : index
      %swap3A_201 = tpu.vector_load %arg11[%swap3A_200] {strides = array<i32>} : memref<128xi32, #tpu.memory_space<vmem>>, vector<16xi32>,
      %swap3A_202 = vector.shape_cast %swap3A_201 : vector<16xi32> to vector<16xi32>
      %swap3A_203 = vector.shape_cast %select_n3A_199 : vector<16xi32> to vector<16xi32>
      tpu.vector_store %arg11[%swap3A_200], %swap3A_203 {strides = array<i32>} : memref<128xi32, #tpu.memory_space<vmem>>, vector<16xi32>,
      %add3A_204 = arith.constant 80 : i32
      %add3A_205 = arith.addi %multiple_of3A, %add3A_204 : i32
      %iota3A_206 = tpu.iota {dimensions = array<i32: 0>} : vector<16xi32>
      %add3A_207 = vector.broadcast %add3A_205 : i32 to vector<16xi32>
      %add3A_208 = arith.addi %add3A_207, %iota3A_206 : vector<16xi32>
      %get3A_209 = arith.constant 80 : index
      %get3A_210 = tpu.vector_load %arg10[%get3A_209] {strides = array<i32>} : memref<128xi32, #tpu.memory_space<vmem>>, vector<16xi32>,
      %get3A_211 = vector.shape_cast %get3A_210 : vector<16xi32> to vector<16xi32>
      %lt3A_212 = vector.broadcast %min3A : i32 to vector<16xi32>
      %lt3A_213 = arith.cmpi slt, %add3A_208, %lt3A_212 : vector<16xi32>
      %jit3A_214 = arith.constant 0 : i32
      %broadcast_in_dim3A_215 = vector.broadcast %jit3A_214 : i32 to vector<16xi32>
      %select_n3A_216 = arith.select %lt3A_213, %get3A_211, %broadcast_in_dim3A_215 : vector<16xi1>, vector<16xi32>
      %swap3A_217 = arith.constant 80 : index
      %swap3A_218 = tpu.vector_load %arg11[%swap3A_217] {strides = array<i32>} : memref<128xi32, #tpu.memory_space<vmem>>, vector<16xi32>,
      %swap3A_219 = vector.shape_cast %swap3A_218 : vector<16xi32> to vector<16xi32>
      %swap3A_220 = vector.shape_cast %select_n3A_216 : vector<16xi32> to vector<16xi32>
      tpu.vector_store %arg11[%swap3A_217], %swap3A_220 {strides = array<i32>} : memref<128xi32, #tpu.memory_space<vmem>>, vector<16xi32>,
      %add3A_221 = arith.constant 96 : i32
      %add3A_222 = arith.addi %multiple_of3A, %add3A_221 : i32
      %iota3A_223 = tpu.iota {dimensions = array<i32: 0>} : vector<16xi32>
      %add3A_224 = vector.broadcast %add3A_222 : i32 to vector<16xi32>
      %add3A_225 = arith.addi %add3A_224, %iota3A_223 : vector<16xi32>
      %get3A_226 = arith.constant 96 : index
      %get3A_227 = tpu.vector_load %arg10[%get3A_226] {strides = array<i32>} : memref<128xi32, #tpu.memory_space<vmem>>, vector<16xi32>,
      %get3A_228 = vector.shape_cast %get3A_227 : vector<16xi32> to vector<16xi32>
      %lt3A_229 = vector.broadcast %min3A : i32 to vector<16xi32>
      %lt3A_230 = arith.cmpi slt, %add3A_225, %lt3A_229 : vector<16xi32>
      %jit3A_231 = arith.constant 0 : i32
      %broadcast_in_dim3A_232 = vector.broadcast %jit3A_231 : i32 to vector<16xi32>
      %select_n3A_233 = arith.select %lt3A_230, %get3A_228, %broadcast_in_dim3A_232 : vector<16xi1>, vector<16xi32>
      %swap3A_234 = arith.constant 96 : index
      %swap3A_235 = tpu.vector_load %arg11[%swap3A_234] {strides = array<i32>} : memref<128xi32, #tpu.memory_space<vmem>>, vector<16xi32>,
      %swap3A_236 = vector.shape_cast %swap3A_235 : vector<16xi32> to vector<16xi32>
      %swap3A_237 = vector.shape_cast %select_n3A_233 : vector<16xi32> to vector<16xi32>
      tpu.vector_store %arg11[%swap3A_234], %swap3A_237 {strides = array<i32>} : memref<128xi32, #tpu.memory_space<vmem>>, vector<16xi32>,
      %add3A_238 = arith.constant 112 : i32
      %add3A_239 = arith.addi %multiple_of3A, %add3A_238 : i32
      %iota3A_240 = tpu.iota {dimensions = array<i32: 0>} : vector<16xi32>
      %add3A_241 = vector.broadcast %add3A_239 : i32 to vector<16xi32>
      %add3A_242 = arith.addi %add3A_241, %iota3A_240 : vector<16xi32>
      %get3A_243 = arith.constant 112 : index
      %get3A_244 = tpu.vector_load %arg10[%get3A_243] {strides = array<i32>} : memref<128xi32, #tpu.memory_space<vmem>>, vector<16xi32>,
      %get3A_245 = vector.shape_cast %get3A_244 : vector<16xi32> to vector<16xi32>
      %lt3A_246 = vector.broadcast %min3A : i32 to vector<16xi32>
      %lt3A_247 = arith.cmpi slt, %add3A_242, %lt3A_246 : vector<16xi32>
      %jit3A_248 = arith.constant 0 : i32
      %broadcast_in_dim3A_249 = vector.broadcast %jit3A_248 : i32 to vector<16xi32>
      %select_n3A_250 = arith.select %lt3A_247, %get3A_245, %broadcast_in_dim3A_249 : vector<16xi1>, vector<16xi32>
      %swap3A_251 = arith.constant 112 : index
      %swap3A_252 = tpu.vector_load %arg11[%swap3A_251] {strides = array<i32>} : memref<128xi32, #tpu.memory_space<vmem>>, vector<16xi32>,
      %swap3A_253 = vector.shape_cast %swap3A_252 : vector<16xi32> to vector<16xi32>
      %swap3A_254 = vector.shape_cast %select_n3A_250 : vector<16xi32> to vector<16xi32>
      tpu.vector_store %arg11[%swap3A_251], %swap3A_254 {strides = array<i32>} : memref<128xi32, #tpu.memory_space<vmem>>, vector<16xi32>,
      %dma_start3A_255 = arith.constant 0 : i32
      %dma_start3A_256 = arith.constant 0 : i32
      %dma_start3A_257 = tpu.memref_slice %arg2[%dma_start3A_255, %dma_start3A_256] : memref<10000x128xf32, #tpu.memory_space<hbm>> -> memref<10000x128xf32, #tpu.memory_space<hbm>>
      tpu.enqueue_indirect_dma source(%dma_start3A_257 : memref<10000x128xf32, #tpu.memory_space<hbm>>) target(%arg12 : memref<128x128xf32, #tpu.memory_space<vmem>>) offsets(%arg9 : memref<128xi32, #tpu.memory_space<vmem>>) semaphore(%arg17 : memref<!tpu.dma_semaphore, #tpu.memory_space<semaphore_mem>>)
      %dma_start3A_258 = arith.constant 0 : i32
      %dma_start3A_259 = arith.constant 0 : i32
      %dma_start3A_260 = tpu.memref_slice %arg3[%dma_start3A_258, %dma_start3A_259] : memref<512x128xf32, #tpu.memory_space<hbm>> -> memref<512x128xf32, #tpu.memory_space<hbm>>
      tpu.enqueue_indirect_dma source(%dma_start3A_260 : memref<512x128xf32, #tpu.memory_space<hbm>>) target(%arg13 : memref<128x128xf32, #tpu.memory_space<vmem>>) offsets(%arg11 : memref<128xi32, #tpu.memory_space<vmem>>) semaphore(%arg18 : memref<!tpu.dma_semaphore, #tpu.memory_space<semaphore_mem>>)
      %dma_wait3A_261 = arith.constant 0 : i32
      %dma_wait3A_262 = arith.constant 0 : i32
      %dma_wait3A_263 = tpu.memref_slice %arg2[%dma_wait3A_261, %dma_wait3A_262] : memref<10000x128xf32, #tpu.memory_space<hbm>> -> memref<10000x128xf32, #tpu.memory_space<hbm>>
      tpu.wait_indirect_dma semaphore(%arg17 : memref<!tpu.dma_semaphore, #tpu.memory_space<semaphore_mem>>) src(%dma_wait3A_263 : memref<10000x128xf32, #tpu.memory_space<hbm>>) dst(%arg12 : memref<128x128xf32, #tpu.memory_space<vmem>>)
      %dma_wait3A_264 = arith.constant 0 : i32
      %dma_wait3A_265 = arith.constant 0 : i32
      %dma_wait3A_266 = tpu.memref_slice %arg3[%dma_wait3A_264, %dma_wait3A_265] : memref<512x128xf32, #tpu.memory_space<hbm>> -> memref<512x128xf32, #tpu.memory_space<hbm>>
      tpu.wait_indirect_dma semaphore(%arg18 : memref<!tpu.dma_semaphore, #tpu.memory_space<semaphore_mem>>) src(%dma_wait3A_266 : memref<512x128xf32, #tpu.memory_space<hbm>>) dst(%arg13 : memref<128x128xf32, #tpu.memory_space<vmem>>)
      %dma_wait3A_267 = arith.constant 0 : i32
      %dma_wait3A_268 = tpu.memref_slice %arg4[%multiple_of3A, %dma_wait3A_267] : memref<321536x128xf32, #tpu.memory_space<hbm>> -> memref<128x128xf32, #tpu.memory_space<hbm>>
      %dma_wait3A_269 = arith.constant 0 : i32
      %dma_wait3A_270 = tpu.memref_slice %arg4[%multiple_of3A, %dma_wait3A_269] : memref<321536x128xf32, #tpu.memory_space<hbm>> -> memref<128x128xf32, #tpu.memory_space<hbm>>
      tpu.wait_dma2 semaphore(%arg19 : memref<!tpu.dma_semaphore, #tpu.memory_space<semaphore_mem>>) src(%dma_wait3A_270 : memref<128x128xf32, #tpu.memory_space<hbm>>) dst(%arg14 : memref<128x128xf32, #tpu.memory_space<vmem>>)
      %scan3A_271 = arith.constant 0 : i32
      %scan3A_272 = arith.constant 0 : i32
      %scan3A_273 = arith.constant 128 : i32
      %scan3A_274 = arith.addi %scan3A_272, %scan3A_273 : i32
      %scan3A_275 = arith.constant 1 : i32
      scf.for %scan3A_277 = %scan3A_272 to %scan3A_274 step %scan3A_275  : i32 {
        %add3A_278 = arith.addi %multiple_of3A, %scan3A_277 : i32
        %lt3A_279 = arith.cmpi slt, %add3A_278, %min3A : i32
        %get3A_280 = arith.index_cast %scan3A_277 : i32 to index
        %get3A_281 = arith.constant 0 : index
        %get3A_282 = tpu.vector_load %arg12[%get3A_280, %get3A_281] {strides = array<i32>} : memref<128x128xf32, #tpu.memory_space<vmem>>, vector<1x16xf32>,
        %get3A_283 = vector.shape_cast %get3A_282 : vector<1x16xf32> to vector<16xf32>
        %get3A_284 = arith.index_cast %scan3A_277 : i32 to index
        %get3A_285 = arith.constant 0 : index
        %get3A_286 = tpu.vector_load %arg13[%get3A_284, %get3A_285] {strides = array<i32>} : memref<128x128xf32, #tpu.memory_space<vmem>>, vector<1x16xf32>,
        %get3A_287 = vector.shape_cast %get3A_286 : vector<1x16xf32> to vector<16xf32>
        %add3A_288 = arith.addf %get3A_283, %get3A_287 : vector<16xf32>
        %get3A_289 = arith.index_cast %scan3A_277 : i32 to index
        %get3A_290 = arith.constant 0 : index
        %get3A_291 = tpu.vector_load %arg14[%get3A_289, %get3A_290] {strides = array<i32>} : memref<128x128xf32, #tpu.memory_space<vmem>>, vector<1x16xf32>,
        %get3A_292 = vector.shape_cast %get3A_291 : vector<1x16xf32> to vector<16xf32>
        %add3A_293 = arith.addf %add3A_288, %get3A_292 : vector<16xf32>
        %max3A_294 = arith.constant 0.000000e+00 : f32
        %max3A_295 = vector.broadcast %max3A_294 : f32 to vector<16xf32>
        %max3A_296 = arith.maximumf %add3A_293, %max3A_295 : vector<16xf32>
        %jit3A_297 = arith.constant 0.000000e+00 : f32
        %broadcast_in_dim3A_298 = vector.broadcast %jit3A_297 : f32 to vector<16xf32>
        %select_n3A_299 = arith.select %lt3A_279, %max3A_296, %broadcast_in_dim3A_298 : vector<16xf32>
        %swap3A_300 = arith.index_cast %scan3A_277 : i32 to index
        %swap3A_301 = arith.constant 0 : index
        %swap3A_302 = tpu.vector_load %arg12[%swap3A_300, %swap3A_301] {strides = array<i32>} : memref<128x128xf32, #tpu.memory_space<vmem>>, vector<1x16xf32>,
        %swap3A_303 = vector.shape_cast %swap3A_302 : vector<1x16xf32> to vector<16xf32>
        %swap3A_304 = vector.shape_cast %select_n3A_299 : vector<16xf32> to vector<1x16xf32>
        tpu.vector_store %arg12[%swap3A_300, %swap3A_301], %swap3A_304 {strides = array<i32>} : memref<128x128xf32, #tpu.memory_space<vmem>>, vector<1x16xf32>,
        %get3A_305 = arith.index_cast %scan3A_277 : i32 to index
        %get3A_306 = arith.constant 16 : index
        %get3A_307 = tpu.vector_load %arg12[%get3A_305, %get3A_306] {strides = array<i32>} : memref<128x128xf32, #tpu.memory_space<vmem>>, vector<1x16xf32>,
        %get3A_308 = vector.shape_cast %get3A_307 : vector<1x16xf32> to vector<16xf32>
        %get3A_309 = arith.index_cast %scan3A_277 : i32 to index
        %get3A_310 = arith.constant 16 : index
        %get3A_311 = tpu.vector_load %arg13[%get3A_309, %get3A_310] {strides = array<i32>} : memref<128x128xf32, #tpu.memory_space<vmem>>, vector<1x16xf32>,
        %get3A_312 = vector.shape_cast %get3A_311 : vector<1x16xf32> to vector<16xf32>
        %add3A_313 = arith.addf %get3A_308, %get3A_312 : vector<16xf32>
        %get3A_314 = arith.index_cast %scan3A_277 : i32 to index
        %get3A_315 = arith.constant 16 : index
        %get3A_316 = tpu.vector_load %arg14[%get3A_314, %get3A_315] {strides = array<i32>} : memref<128x128xf32, #tpu.memory_space<vmem>>, vector<1x16xf32>,
        %get3A_317 = vector.shape_cast %get3A_316 : vector<1x16xf32> to vector<16xf32>
        %add3A_318 = arith.addf %add3A_313, %get3A_317 : vector<16xf32>
        %max3A_319 = arith.constant 0.000000e+00 : f32
        %max3A_320 = vector.broadcast %max3A_319 : f32 to vector<16xf32>
        %max3A_321 = arith.maximumf %add3A_318, %max3A_320 : vector<16xf32>
        %jit3A_322 = arith.constant 0.000000e+00 : f32
        %broadcast_in_dim3A_323 = vector.broadcast %jit3A_322 : f32 to vector<16xf32>
        %select_n3A_324 = arith.select %lt3A_279, %max3A_321, %broadcast_in_dim3A_323 : vector<16xf32>
        %swap3A_325 = arith.index_cast %scan3A_277 : i32 to index
        %swap3A_326 = arith.constant 16 : index
        %swap3A_327 = tpu.vector_load %arg12[%swap3A_325, %swap3A_326] {strides = array<i32>} : memref<128x128xf32, #tpu.memory_space<vmem>>, vector<1x16xf32>,
        %swap3A_328 = vector.shape_cast %swap3A_327 : vector<1x16xf32> to vector<16xf32>
        %swap3A_329 = vector.shape_cast %select_n3A_324 : vector<16xf32> to vector<1x16xf32>
        tpu.vector_store %arg12[%swap3A_325, %swap3A_326], %swap3A_329 {strides = array<i32>} : memref<128x128xf32, #tpu.memory_space<vmem>>, vector<1x16xf32>,
        %get3A_330 = arith.index_cast %scan3A_277 : i32 to index
        %get3A_331 = arith.constant 32 : index
        %get3A_332 = tpu.vector_load %arg12[%get3A_330, %get3A_331] {strides = array<i32>} : memref<128x128xf32, #tpu.memory_space<vmem>>, vector<1x16xf32>,
        %get3A_333 = vector.shape_cast %get3A_332 : vector<1x16xf32> to vector<16xf32>
        %get3A_334 = arith.index_cast %scan3A_277 : i32 to index
        %get3A_335 = arith.constant 32 : index
        %get3A_336 = tpu.vector_load %arg13[%get3A_334, %get3A_335] {strides = array<i32>} : memref<128x128xf32, #tpu.memory_space<vmem>>, vector<1x16xf32>,
        %get3A_337 = vector.shape_cast %get3A_336 : vector<1x16xf32> to vector<16xf32>
        %add3A_338 = arith.addf %get3A_333, %get3A_337 : vector<16xf32>
        %get3A_339 = arith.index_cast %scan3A_277 : i32 to index
        %get3A_340 = arith.constant 32 : index
        %get3A_341 = tpu.vector_load %arg14[%get3A_339, %get3A_340] {strides = array<i32>} : memref<128x128xf32, #tpu.memory_space<vmem>>, vector<1x16xf32>,
        %get3A_342 = vector.shape_cast %get3A_341 : vector<1x16xf32> to vector<16xf32>
        %add3A_343 = arith.addf %add3A_338, %get3A_342 : vector<16xf32>
        %max3A_344 = arith.constant 0.000000e+00 : f32
        %max3A_345 = vector.broadcast %max3A_344 : f32 to vector<16xf32>
        %max3A_346 = arith.maximumf %add3A_343, %max3A_345 : vector<16xf32>
        %jit3A_347 = arith.constant 0.000000e+00 : f32
        %broadcast_in_dim3A_348 = vector.broadcast %jit3A_347 : f32 to vector<16xf32>
        %select_n3A_349 = arith.select %lt3A_279, %max3A_346, %broadcast_in_dim3A_348 : vector<16xf32>
        %swap3A_350 = arith.index_cast %scan3A_277 : i32 to index
        %swap3A_351 = arith.constant 32 : index
        %swap3A_352 = tpu.vector_load %arg12[%swap3A_350, %swap3A_351] {strides = array<i32>} : memref<128x128xf32, #tpu.memory_space<vmem>>, vector<1x16xf32>,
        %swap3A_353 = vector.shape_cast %swap3A_352 : vector<1x16xf32> to vector<16xf32>
        %swap3A_354 = vector.shape_cast %select_n3A_349 : vector<16xf32> to vector<1x16xf32>
        tpu.vector_store %arg12[%swap3A_350, %swap3A_351], %swap3A_354 {strides = array<i32>} : memref<128x128xf32, #tpu.memory_space<vmem>>, vector<1x16xf32>,
        %get3A_355 = arith.index_cast %scan3A_277 : i32 to index
        %get3A_356 = arith.constant 48 : index
        %get3A_357 = tpu.vector_load %arg12[%get3A_355, %get3A_356] {strides = array<i32>} : memref<128x128xf32, #tpu.memory_space<vmem>>, vector<1x16xf32>,
        %get3A_358 = vector.shape_cast %get3A_357 : vector<1x16xf32> to vector<16xf32>
        %get3A_359 = arith.index_cast %scan3A_277 : i32 to index
        %get3A_360 = arith.constant 48 : index
        %get3A_361 = tpu.vector_load %arg13[%get3A_359, %get3A_360] {strides = array<i32>} : memref<128x128xf32, #tpu.memory_space<vmem>>, vector<1x16xf32>,
        %get3A_362 = vector.shape_cast %get3A_361 : vector<1x16xf32> to vector<16xf32>
        %add3A_363 = arith.addf %get3A_358, %get3A_362 : vector<16xf32>
        %get3A_364 = arith.index_cast %scan3A_277 : i32 to index
        %get3A_365 = arith.constant 48 : index
        %get3A_366 = tpu.vector_load %arg14[%get3A_364, %get3A_365] {strides = array<i32>} : memref<128x128xf32, #tpu.memory_space<vmem>>, vector<1x16xf32>,
        %get3A_367 = vector.shape_cast %get3A_366 : vector<1x16xf32> to vector<16xf32>
        %add3A_368 = arith.addf %add3A_363, %get3A_367 : vector<16xf32>
        %max3A_369 = arith.constant 0.000000e+00 : f32
        %max3A_370 = vector.broadcast %max3A_369 : f32 to vector<16xf32>
        %max3A_371 = arith.maximumf %add3A_368, %max3A_370 : vector<16xf32>
        %jit3A_372 = arith.constant 0.000000e+00 : f32
        %broadcast_in_dim3A_373 = vector.broadcast %jit3A_372 : f32 to vector<16xf32>
        %select_n3A_374 = arith.select %lt3A_279, %max3A_371, %broadcast_in_dim3A_373 : vector<16xf32>
        %swap3A_375 = arith.index_cast %scan3A_277 : i32 to index
        %swap3A_376 = arith.constant 48 : index
        %swap3A_377 = tpu.vector_load %arg12[%swap3A_375, %swap3A_376] {strides = array<i32>} : memref<128x128xf32, #tpu.memory_space<vmem>>, vector<1x16xf32>,
        %swap3A_378 = vector.shape_cast %swap3A_377 : vector<1x16xf32> to vector<16xf32>
        %swap3A_379 = vector.shape_cast %select_n3A_374 : vector<16xf32> to vector<1x16xf32>
        tpu.vector_store %arg12[%swap3A_375, %swap3A_376], %swap3A_379 {strides = array<i32>} : memref<128x128xf32, #tpu.memory_space<vmem>>, vector<1x16xf32>,
        %get3A_380 = arith.index_cast %scan3A_277 : i32 to index
        %get3A_381 = arith.constant 64 : index
        %get3A_382 = tpu.vector_load %arg12[%get3A_380, %get3A_381] {strides = array<i32>} : memref<128x128xf32, #tpu.memory_space<vmem>>, vector<1x16xf32>,
        %get3A_383 = vector.shape_cast %get3A_382 : vector<1x16xf32> to vector<16xf32>
        %get3A_384 = arith.index_cast %scan3A_277 : i32 to index
        %get3A_385 = arith.constant 64 : index
        %get3A_386 = tpu.vector_load %arg13[%get3A_384, %get3A_385] {strides = array<i32>} : memref<128x128xf32, #tpu.memory_space<vmem>>, vector<1x16xf32>,
        %get3A_387 = vector.shape_cast %get3A_386 : vector<1x16xf32> to vector<16xf32>
        %add3A_388 = arith.addf %get3A_383, %get3A_387 : vector<16xf32>
        %get3A_389 = arith.index_cast %scan3A_277 : i32 to index
        %get3A_390 = arith.constant 64 : index
        %get3A_391 = tpu.vector_load %arg14[%get3A_389, %get3A_390] {strides = array<i32>} : memref<128x128xf32, #tpu.memory_space<vmem>>, vector<1x16xf32>,
        %get3A_392 = vector.shape_cast %get3A_391 : vector<1x16xf32> to vector<16xf32>
        %add3A_393 = arith.addf %add3A_388, %get3A_392 : vector<16xf32>
        %max3A_394 = arith.constant 0.000000e+00 : f32
        %max3A_395 = vector.broadcast %max3A_394 : f32 to vector<16xf32>
        %max3A_396 = arith.maximumf %add3A_393, %max3A_395 : vector<16xf32>
        %jit3A_397 = arith.constant 0.000000e+00 : f32
        %broadcast_in_dim3A_398 = vector.broadcast %jit3A_397 : f32 to vector<16xf32>
        %select_n3A_399 = arith.select %lt3A_279, %max3A_396, %broadcast_in_dim3A_398 : vector<16xf32>
        %swap3A_400 = arith.index_cast %scan3A_277 : i32 to index
        %swap3A_401 = arith.constant 64 : index
        %swap3A_402 = tpu.vector_load %arg12[%swap3A_400, %swap3A_401] {strides = array<i32>} : memref<128x128xf32, #tpu.memory_space<vmem>>, vector<1x16xf32>,
        %swap3A_403 = vector.shape_cast %swap3A_402 : vector<1x16xf32> to vector<16xf32>
        %swap3A_404 = vector.shape_cast %select_n3A_399 : vector<16xf32> to vector<1x16xf32>
        tpu.vector_store %arg12[%swap3A_400, %swap3A_401], %swap3A_404 {strides = array<i32>} : memref<128x128xf32, #tpu.memory_space<vmem>>, vector<1x16xf32>,
        %get3A_405 = arith.index_cast %scan3A_277 : i32 to index
        %get3A_406 = arith.constant 80 : index
        %get3A_407 = tpu.vector_load %arg12[%get3A_405, %get3A_406] {strides = array<i32>} : memref<128x128xf32, #tpu.memory_space<vmem>>, vector<1x16xf32>,
        %get3A_408 = vector.shape_cast %get3A_407 : vector<1x16xf32> to vector<16xf32>
        %get3A_409 = arith.index_cast %scan3A_277 : i32 to index
        %get3A_410 = arith.constant 80 : index
        %get3A_411 = tpu.vector_load %arg13[%get3A_409, %get3A_410] {strides = array<i32>} : memref<128x128xf32, #tpu.memory_space<vmem>>, vector<1x16xf32>,
        %get3A_412 = vector.shape_cast %get3A_411 : vector<1x16xf32> to vector<16xf32>
        %add3A_413 = arith.addf %get3A_408, %get3A_412 : vector<16xf32>
        %get3A_414 = arith.index_cast %scan3A_277 : i32 to index
        %get3A_415 = arith.constant 80 : index
        %get3A_416 = tpu.vector_load %arg14[%get3A_414, %get3A_415] {strides = array<i32>} : memref<128x128xf32, #tpu.memory_space<vmem>>, vector<1x16xf32>,
        %get3A_417 = vector.shape_cast %get3A_416 : vector<1x16xf32> to vector<16xf32>
        %add3A_418 = arith.addf %add3A_413, %get3A_417 : vector<16xf32>
        %max3A_419 = arith.constant 0.000000e+00 : f32
        %max3A_420 = vector.broadcast %max3A_419 : f32 to vector<16xf32>
        %max3A_421 = arith.maximumf %add3A_418, %max3A_420 : vector<16xf32>
        %jit3A_422 = arith.constant 0.000000e+00 : f32
        %broadcast_in_dim3A_423 = vector.broadcast %jit3A_422 : f32 to vector<16xf32>
        %select_n3A_424 = arith.select %lt3A_279, %max3A_421, %broadcast_in_dim3A_423 : vector<16xf32>
        %swap3A_425 = arith.index_cast %scan3A_277 : i32 to index
        %swap3A_426 = arith.constant 80 : index
        %swap3A_427 = tpu.vector_load %arg12[%swap3A_425, %swap3A_426] {strides = array<i32>} : memref<128x128xf32, #tpu.memory_space<vmem>>, vector<1x16xf32>,
        %swap3A_428 = vector.shape_cast %swap3A_427 : vector<1x16xf32> to vector<16xf32>
        %swap3A_429 = vector.shape_cast %select_n3A_424 : vector<16xf32> to vector<1x16xf32>
        tpu.vector_store %arg12[%swap3A_425, %swap3A_426], %swap3A_429 {strides = array<i32>} : memref<128x128xf32, #tpu.memory_space<vmem>>, vector<1x16xf32>,
        %get3A_430 = arith.index_cast %scan3A_277 : i32 to index
        %get3A_431 = arith.constant 96 : index
        %get3A_432 = tpu.vector_load %arg12[%get3A_430, %get3A_431] {strides = array<i32>} : memref<128x128xf32, #tpu.memory_space<vmem>>, vector<1x16xf32>,
        %get3A_433 = vector.shape_cast %get3A_432 : vector<1x16xf32> to vector<16xf32>
        %get3A_434 = arith.index_cast %scan3A_277 : i32 to index
        %get3A_435 = arith.constant 96 : index
        %get3A_436 = tpu.vector_load %arg13[%get3A_434, %get3A_435] {strides = array<i32>} : memref<128x128xf32, #tpu.memory_space<vmem>>, vector<1x16xf32>,
        %get3A_437 = vector.shape_cast %get3A_436 : vector<1x16xf32> to vector<16xf32>
        %add3A_438 = arith.addf %get3A_433, %get3A_437 : vector<16xf32>
        %get3A_439 = arith.index_cast %scan3A_277 : i32 to index
        %get3A_440 = arith.constant 96 : index
        %get3A_441 = tpu.vector_load %arg14[%get3A_439, %get3A_440] {strides = array<i32>} : memref<128x128xf32, #tpu.memory_space<vmem>>, vector<1x16xf32>,
        %get3A_442 = vector.shape_cast %get3A_441 : vector<1x16xf32> to vector<16xf32>
        %add3A_443 = arith.addf %add3A_438, %get3A_442 : vector<16xf32>
        %max3A_444 = arith.constant 0.000000e+00 : f32
        %max3A_445 = vector.broadcast %max3A_444 : f32 to vector<16xf32>
        %max3A_446 = arith.maximumf %add3A_443, %max3A_445 : vector<16xf32>
        %jit3A_447 = arith.constant 0.000000e+00 : f32
        %broadcast_in_dim3A_448 = vector.broadcast %jit3A_447 : f32 to vector<16xf32>
        %select_n3A_449 = arith.select %lt3A_279, %max3A_446, %broadcast_in_dim3A_448 : vector<16xf32>
        %swap3A_450 = arith.index_cast %scan3A_277 : i32 to index
        %swap3A_451 = arith.constant 96 : index
        %swap3A_452 = tpu.vector_load %arg12[%swap3A_450, %swap3A_451] {strides = array<i32>} : memref<128x128xf32, #tpu.memory_space<vmem>>, vector<1x16xf32>,
        %swap3A_453 = vector.shape_cast %swap3A_452 : vector<1x16xf32> to vector<16xf32>
        %swap3A_454 = vector.shape_cast %select_n3A_449 : vector<16xf32> to vector<1x16xf32>
        tpu.vector_store %arg12[%swap3A_450, %swap3A_451], %swap3A_454 {strides = array<i32>} : memref<128x128xf32, #tpu.memory_space<vmem>>, vector<1x16xf32>,
        %get3A_455 = arith.index_cast %scan3A_277 : i32 to index
        %get3A_456 = arith.constant 112 : index
        %get3A_457 = tpu.vector_load %arg12[%get3A_455, %get3A_456] {strides = array<i32>} : memref<128x128xf32, #tpu.memory_space<vmem>>, vector<1x16xf32>,
        %get3A_458 = vector.shape_cast %get3A_457 : vector<1x16xf32> to vector<16xf32>
        %get3A_459 = arith.index_cast %scan3A_277 : i32 to index
        %get3A_460 = arith.constant 112 : index
        %get3A_461 = tpu.vector_load %arg13[%get3A_459, %get3A_460] {strides = array<i32>} : memref<128x128xf32, #tpu.memory_space<vmem>>, vector<1x16xf32>,
        %get3A_462 = vector.shape_cast %get3A_461 : vector<1x16xf32> to vector<16xf32>
        %add3A_463 = arith.addf %get3A_458, %get3A_462 : vector<16xf32>
        %get3A_464 = arith.index_cast %scan3A_277 : i32 to index
        %get3A_465 = arith.constant 112 : index
        %get3A_466 = tpu.vector_load %arg14[%get3A_464, %get3A_465] {strides = array<i32>} : memref<128x128xf32, #tpu.memory_space<vmem>>, vector<1x16xf32>,
        %get3A_467 = vector.shape_cast %get3A_466 : vector<1x16xf32> to vector<16xf32>
        %add3A_468 = arith.addf %add3A_463, %get3A_467 : vector<16xf32>
        %max3A_469 = arith.constant 0.000000e+00 : f32
        %max3A_470 = vector.broadcast %max3A_469 : f32 to vector<16xf32>
        %max3A_471 = arith.maximumf %add3A_468, %max3A_470 : vector<16xf32>
        %jit3A_472 = arith.constant 0.000000e+00 : f32
        %broadcast_in_dim3A_473 = vector.broadcast %jit3A_472 : f32 to vector<16xf32>
        %select_n3A_474 = arith.select %lt3A_279, %max3A_471, %broadcast_in_dim3A_473 : vector<16xf32>
        %swap3A_475 = arith.index_cast %scan3A_277 : i32 to index
        %swap3A_476 = arith.constant 112 : index
        %swap3A_477 = tpu.vector_load %arg12[%swap3A_475, %swap3A_476] {strides = array<i32>} : memref<128x128xf32, #tpu.memory_space<vmem>>, vector<1x16xf32>,
        %swap3A_478 = vector.shape_cast %swap3A_477 : vector<1x16xf32> to vector<16xf32>
        %swap3A_479 = vector.shape_cast %select_n3A_474 : vector<16xf32> to vector<1x16xf32>
        tpu.vector_store %arg12[%swap3A_475, %swap3A_476], %swap3A_479 {strides = array<i32>} : memref<128x128xf32, #tpu.memory_space<vmem>>, vector<1x16xf32>,
      }
      %scan3A_276 = arith.constant 128 : i32
      "tpu.region"() ({
        %run_scoped3A = tpu.sem_alloc : memref<!tpu.dma_semaphore, #tpu.memory_space<semaphore_mem>>
        %dma_start3A_277 = arith.constant 0 : i32
        %dma_start3A_278 = arith.constant 0 : i32
        %dma_start3A_279 = tpu.memref_slice %arg16[%dma_start3A_277, %dma_start3A_278] : memref<512x128xf32, #tpu.memory_space<vmem_shared>> -> memref<512x128xf32, #tpu.memory_space<vmem_shared>>
        tpu.enqueue_indirect_dma source(%arg12 : memref<128x128xf32, #tpu.memory_space<vmem>>) target(%dma_start3A_279 : memref<512x128xf32, #tpu.memory_space<vmem_shared>>) offsets(%arg11 : memref<128xi32, #tpu.memory_space<vmem>>) semaphore(%run_scoped3A : memref<!tpu.dma_semaphore, #tpu.memory_space<semaphore_mem>>) {add = true}
        %dma_wait3A_280 = arith.constant 0 : i32
        %dma_wait3A_281 = arith.constant 0 : i32
        %dma_wait3A_282 = tpu.memref_slice %arg16[%dma_wait3A_280, %dma_wait3A_281] : memref<512x128xf32, #tpu.memory_space<vmem_shared>> -> memref<512x128xf32, #tpu.memory_space<vmem_shared>>
        tpu.wait_indirect_dma semaphore(%run_scoped3A : memref<!tpu.dma_semaphore, #tpu.memory_space<semaphore_mem>>) src(%arg12 : memref<128x128xf32, #tpu.memory_space<vmem>>) dst(%dma_wait3A_282 : memref<512x128xf32, #tpu.memory_space<vmem_shared>>)
        tpu.yield
      }) : () -> ()
    }
    %barrier3A_100 = arith.constant 0 : index
    tpu.barrier barrier_id(%barrier3A_100)
    %mul3A_101 = arith.constant 512 : i32
    %mul3A_102 = arith.muli %arg0, %mul3A_101 : i32
    %mul3A_103 = arith.constant 32 : i32
    %mul3A_104 = arith.muli %arg1, %mul3A_103 : i32
    %add3A_105 = arith.addi %mul3A_102, %mul3A_104 : i32
    %mul3A_106 = arith.constant 32 : i32
    %mul3A_107 = arith.muli %arg1, %mul3A_106 : i32
    "tpu.region"() ({
      %run_scoped3A = tpu.sem_alloc : memref<!tpu.dma_semaphore, #tpu.memory_space<semaphore_mem>>
      %dma_start3A = arith.constant 0 : i32
      %dma_start3A_108 = tpu.memref_slice %arg8[%add3A_105, %dma_start3A] : memref<1024x128xf32, #tpu.memory_space<hbm>> -> memref<32x128xf32, #tpu.memory_space<hbm>>
      %dma_start3A_109 = arith.constant 0 : i32
      %dma_start3A_110 = tpu.memref_slice %arg16[%mul3A_107, %dma_start3A_109] : memref<512x128xf32, #tpu.memory_space<vmem_shared>> -> memref<32x128xf32, #tpu.memory_space<vmem_shared>>
      tpu.enqueue_dma source(%dma_start3A_110 : memref<32x128xf32, #tpu.memory_space<vmem_shared>>) target(%dma_start3A_108 : memref<32x128xf32, #tpu.memory_space<hbm>>) target_semaphore(%run_scoped3A : memref<!tpu.dma_semaphore, #tpu.memory_space<semaphore_mem>>)
      %dma_wait3A = arith.constant 0 : i32
      %dma_wait3A_111 = tpu.memref_slice %arg8[%add3A_105, %dma_wait3A] : memref<1024x128xf32, #tpu.memory_space<hbm>> -> memref<32x128xf32, #tpu.memory_space<hbm>>
      %dma_wait3A_112 = arith.constant 0 : i32
      %dma_wait3A_113 = tpu.memref_slice %arg16[%mul3A_107, %dma_wait3A_112] : memref<512x128xf32, #tpu.memory_space<vmem_shared>> -> memref<32x128xf32, #tpu.memory_space<vmem_shared>>
      tpu.wait_dma2 semaphore(%run_scoped3A : memref<!tpu.dma_semaphore, #tpu.memory_space<semaphore_mem>>) src(%dma_wait3A_113 : memref<32x128xf32, #tpu.memory_space<vmem_shared>>) dst(%dma_wait3A_111 : memref<32x128xf32, #tpu.memory_space<hbm>>)
      tpu.yield
    }) : () -> ()
    return
  }
}

module attributes {stable_mosaic.version = 14 : i64} {
  func.func @_p2_body(%arg0: i32, %arg1: memref<1xi32, #tpu.memory_space<smem>>, %arg2: memref<2048x16xf32, #tpu.memory_space<vmem>>, %arg3: memref<16x128xf32, #tpu.memory_space<vmem>>, %arg4: memref<1x128xf32, #tpu.memory_space<vmem>>, %arg5: memref<2048x128xf32, #tpu.memory_space<vmem>>) attributes {dimension_semantics = [#tpu.dimension_semantics<arbitrary>], iteration_bounds = array<i64: 4>, scalar_prefetch = 1 : i64, scratch_operands = 0 : i64, tpu.core_type = #tpu.core_type<tc>, window_params = [{transform_indices = @transform_0, window_bounds = array<i64: 2048, 16>}, {pipeline_mode = #tpu.pipeline_mode<synchronous>, transform_indices = @transform_1, window_bounds = array<i64: 16, 128>}, {pipeline_mode = #tpu.pipeline_mode<synchronous>, transform_indices = @transform_2, window_bounds = array<i64: 1, 128>}, {transform_indices = @transform_3, window_bounds = array<i64: 2048, 128>}]} {
    %get3A = arith.constant 0 : index
    %get3A_0 = memref.load %arg1[%get3A] : memref<1xi32, #tpu.memory_space<smem>>
    %le3A = arith.cmpi sle, %arg0, %get3A_0 : i32
    %convert_element_type3A = arith.extui %le3A : i1 to i32
    %cond3A = arith.constant 0 : i32
    %cond3A_1 = arith.cmpi ne, %convert_element_type3A, %cond3A : i32
    scf.if %cond3A_1 {
      %get3A_2 = arith.constant 0 : index
      %get3A_3 = arith.constant 0 : index
      %get3A_4 = vector.load %arg2[%get3A_2, %get3A_3] : memref<2048x16xf32, #tpu.memory_space<vmem>>, vector<2048x16xf32>
      %get3A_5 = arith.constant 0 : index
      %get3A_6 = arith.constant 0 : index
      %get3A_7 = vector.load %arg3[%get3A_5, %get3A_6] : memref<16x128xf32, #tpu.memory_space<vmem>>, vector<16x128xf32>
      %dot_general3A = arith.constant dense<0.000000e+00> : vector<2048x128xf32>
      %dot_general3A_8 = tpu.matmul %get3A_4, %get3A_7, %dot_general3A {dimension_numbers = #tpu.dot_dimension_numbers<[1], [0], [0], [1], [0, 0, 1, 1], [], []>, transpose_lhs_hint = false} : vector<2048x16xf32>, vector<16x128xf32>, vector<2048x128xf32> -> vector<2048x128xf32>
      %get3A_9 = arith.constant 0 : index
      %get3A_10 = arith.constant 0 : index
      %get3A_11 = vector.load %arg4[%get3A_9, %get3A_10] : memref<1x128xf32, #tpu.memory_space<vmem>>, vector<1x128xf32>
      %add3A = vector.broadcast %get3A_11 : vector<1x128xf32> to vector<2048x128xf32>
      %add3A_12 = arith.addf %dot_general3A_8, %add3A : vector<2048x128xf32>
      %swap3A = arith.constant 0 : index
      %swap3A_13 = arith.constant 0 : index
      %swap3A_14 = vector.load %arg5[%swap3A, %swap3A_13] : memref<2048x128xf32, #tpu.memory_space<vmem>>, vector<2048x128xf32>
      tpu.vector_store %arg5[%swap3A, %swap3A_13], %add3A_12 {strides = array<i32>} : memref<2048x128xf32, #tpu.memory_space<vmem>>, vector<2048x128xf32>,
    } else {
    }
    return
  }
  func.func @transform_0(%arg0: i32, %arg1: memref<1xi32, #tpu.memory_space<smem>>) -> (i32, i32) {
    %get3A = arith.constant 0 : index
    %get3A_0 = memref.load %arg1[%get3A] : memref<1xi32, #tpu.memory_space<smem>>
    %min3A = arith.minsi %arg0, %get3A_0 : i32
    %c0_i32 = arith.constant 0 : i32
    %c0_i32_1 = arith.constant 0 : i32
    return %min3A, %c0_i32 : i32, i32
  }
  func.func @transform_1(%arg0: i32, %arg1: memref<1xi32, #tpu.memory_space<smem>>) -> (i32, i32) {
    %c0_i32 = arith.constant 0 : i32
    %c0_i32_0 = arith.constant 0 : i32
    %c0_i32_1 = arith.constant 0 : i32
    return %c0_i32, %c0_i32_0 : i32, i32
  }
  func.func @transform_2(%arg0: i32, %arg1: memref<1xi32, #tpu.memory_space<smem>>) -> (i32, i32) {
    %c0_i32 = arith.constant 0 : i32
    %c0_i32_0 = arith.constant 0 : i32
    %c0_i32_1 = arith.constant 0 : i32
    return %c0_i32, %c0_i32_0 : i32, i32
  }
  func.func @transform_3(%arg0: i32, %arg1: memref<1xi32, #tpu.memory_space<smem>>) -> (i32, i32) {
    %get3A = arith.constant 0 : index
    %get3A_0 = memref.load %arg1[%get3A] : memref<1xi32, #tpu.memory_space<smem>>
    %min3A = arith.minsi %arg0, %get3A_0 : i32
    %c0_i32 = arith.constant 0 : i32
    %c0_i32_1 = arith.constant 0 : i32
    return %min3A, %c0_i32 : i32, i32
  }
}

module attributes {stable_mosaic.version = 14 : i64} {
  func.func @_p2_body(%arg0: i32, %arg1: memref<1xi32, #tpu.memory_space<smem>>, %arg2: memref<2048x16xf32, #tpu.memory_space<vmem>>, %arg3: memref<16x128xf32, #tpu.memory_space<vmem>>, %arg4: memref<1x128xf32, #tpu.memory_space<vmem>>, %arg5: memref<2048x128xf32, #tpu.memory_space<vmem>>) attributes {dimension_semantics = [#tpu.dimension_semantics<arbitrary>], iteration_bounds = array<i64: 2>, scalar_prefetch = 1 : i64, scratch_operands = 0 : i64, tpu.core_type = #tpu.core_type<tc>, window_params = [{transform_indices = @transform_0, window_bounds = array<i64: 2048, 16>}, {pipeline_mode = #tpu.pipeline_mode<synchronous>, transform_indices = @transform_1, window_bounds = array<i64: 16, 128>}, {pipeline_mode = #tpu.pipeline_mode<synchronous>, transform_indices = @transform_2, window_bounds = array<i64: 1, 128>}, {transform_indices = @transform_3, window_bounds = array<i64: 2048, 128>}]} {
    %get3A = arith.constant 0 : index
    %get3A_0 = memref.load %arg1[%get3A] : memref<1xi32, #tpu.memory_space<smem>>
    %le3A = arith.cmpi sle, %arg0, %get3A_0 : i32
    %convert_element_type3A = arith.extui %le3A : i1 to i32
    %cond3A = arith.constant 0 : i32
    %cond3A_1 = arith.cmpi ne, %convert_element_type3A, %cond3A : i32
    scf.if %cond3A_1 {
      %get3A_2 = arith.constant 0 : index
      %get3A_3 = arith.constant 0 : index
      %get3A_4 = vector.load %arg2[%get3A_2, %get3A_3] : memref<2048x16xf32, #tpu.memory_space<vmem>>, vector<2048x16xf32>
      %get3A_5 = arith.constant 0 : index
      %get3A_6 = arith.constant 0 : index
      %get3A_7 = vector.load %arg3[%get3A_5, %get3A_6] : memref<16x128xf32, #tpu.memory_space<vmem>>, vector<16x128xf32>
      %dot_general3A = arith.constant dense<0.000000e+00> : vector<2048x128xf32>
      %dot_general3A_8 = tpu.matmul %get3A_4, %get3A_7, %dot_general3A {dimension_numbers = #tpu.dot_dimension_numbers<[1], [0], [0], [1], [0, 0, 1, 1], [], []>, transpose_lhs_hint = false} : vector<2048x16xf32>, vector<16x128xf32>, vector<2048x128xf32> -> vector<2048x128xf32>
      %get3A_9 = arith.constant 0 : index
      %get3A_10 = arith.constant 0 : index
      %get3A_11 = vector.load %arg4[%get3A_9, %get3A_10] : memref<1x128xf32, #tpu.memory_space<vmem>>, vector<1x128xf32>
      %add3A = vector.broadcast %get3A_11 : vector<1x128xf32> to vector<2048x128xf32>
      %add3A_12 = arith.addf %dot_general3A_8, %add3A : vector<2048x128xf32>
      %swap3A = arith.constant 0 : index
      %swap3A_13 = arith.constant 0 : index
      %swap3A_14 = vector.load %arg5[%swap3A, %swap3A_13] : memref<2048x128xf32, #tpu.memory_space<vmem>>, vector<2048x128xf32>
      tpu.vector_store %arg5[%swap3A, %swap3A_13], %add3A_12 {strides = array<i32>} : memref<2048x128xf32, #tpu.memory_space<vmem>>, vector<2048x128xf32>,
    } else {
    }
    return
  }
  func.func @transform_0(%arg0: i32, %arg1: memref<1xi32, #tpu.memory_space<smem>>) -> (i32, i32) {
    %get3A = arith.constant 0 : index
    %get3A_0 = memref.load %arg1[%get3A] : memref<1xi32, #tpu.memory_space<smem>>
    %min3A = arith.minsi %arg0, %get3A_0 : i32
    %c0_i32 = arith.constant 0 : i32
    %c0_i32_1 = arith.constant 0 : i32
    return %min3A, %c0_i32 : i32, i32
  }
  func.func @transform_1(%arg0: i32, %arg1: memref<1xi32, #tpu.memory_space<smem>>) -> (i32, i32) {
    %c0_i32 = arith.constant 0 : i32
    %c0_i32_0 = arith.constant 0 : i32
    %c0_i32_1 = arith.constant 0 : i32
    return %c0_i32, %c0_i32_0 : i32, i32
  }
  func.func @transform_2(%arg0: i32, %arg1: memref<1xi32, #tpu.memory_space<smem>>) -> (i32, i32) {
    %c0_i32 = arith.constant 0 : i32
    %c0_i32_0 = arith.constant 0 : i32
    %c0_i32_1 = arith.constant 0 : i32
    return %c0_i32, %c0_i32_0 : i32, i32
  }
  func.func @transform_3(%arg0: i32, %arg1: memref<1xi32, #tpu.memory_space<smem>>) -> (i32, i32) {
    %get3A = arith.constant 0 : index
    %get3A_0 = memref.load %arg1[%get3A] : memref<1xi32, #tpu.memory_space<smem>>
    %min3A = arith.minsi %arg0, %get3A_0 : i32
    %c0_i32 = arith.constant 0 : i32
    %c0_i32_1 = arith.constant 0 : i32
    return %min3A, %c0_i32 : i32, i32
  }
}

module attributes {stable_mosaic.version = 14 : i64} {
  func.func @_p2_body(%arg0: i32, %arg1: memref<1xi32, #tpu.memory_space<smem>>, %arg2: memref<2048x16xf32, #tpu.memory_space<vmem>>, %arg3: memref<16x128xf32, #tpu.memory_space<vmem>>, %arg4: memref<1x128xf32, #tpu.memory_space<vmem>>, %arg5: memref<2048x128xf32, #tpu.memory_space<vmem>>) attributes {dimension_semantics = [#tpu.dimension_semantics<arbitrary>], iteration_bounds = array<i64: 6>, scalar_prefetch = 1 : i64, scratch_operands = 0 : i64, tpu.core_type = #tpu.core_type<tc>, window_params = [{transform_indices = @transform_0, window_bounds = array<i64: 2048, 16>}, {pipeline_mode = #tpu.pipeline_mode<synchronous>, transform_indices = @transform_1, window_bounds = array<i64: 16, 128>}, {pipeline_mode = #tpu.pipeline_mode<synchronous>, transform_indices = @transform_2, window_bounds = array<i64: 1, 128>}, {transform_indices = @transform_3, window_bounds = array<i64: 2048, 128>}]} {
    %get3A = arith.constant 0 : index
    %get3A_0 = memref.load %arg1[%get3A] : memref<1xi32, #tpu.memory_space<smem>>
    %le3A = arith.cmpi sle, %arg0, %get3A_0 : i32
    %convert_element_type3A = arith.extui %le3A : i1 to i32
    %cond3A = arith.constant 0 : i32
    %cond3A_1 = arith.cmpi ne, %convert_element_type3A, %cond3A : i32
    scf.if %cond3A_1 {
      %get3A_2 = arith.constant 0 : index
      %get3A_3 = arith.constant 0 : index
      %get3A_4 = vector.load %arg2[%get3A_2, %get3A_3] : memref<2048x16xf32, #tpu.memory_space<vmem>>, vector<2048x16xf32>
      %get3A_5 = arith.constant 0 : index
      %get3A_6 = arith.constant 0 : index
      %get3A_7 = vector.load %arg3[%get3A_5, %get3A_6] : memref<16x128xf32, #tpu.memory_space<vmem>>, vector<16x128xf32>
      %dot_general3A = arith.constant dense<0.000000e+00> : vector<2048x128xf32>
      %dot_general3A_8 = tpu.matmul %get3A_4, %get3A_7, %dot_general3A {dimension_numbers = #tpu.dot_dimension_numbers<[1], [0], [0], [1], [0, 0, 1, 1], [], []>, transpose_lhs_hint = false} : vector<2048x16xf32>, vector<16x128xf32>, vector<2048x128xf32> -> vector<2048x128xf32>
      %get3A_9 = arith.constant 0 : index
      %get3A_10 = arith.constant 0 : index
      %get3A_11 = vector.load %arg4[%get3A_9, %get3A_10] : memref<1x128xf32, #tpu.memory_space<vmem>>, vector<1x128xf32>
      %add3A = vector.broadcast %get3A_11 : vector<1x128xf32> to vector<2048x128xf32>
      %add3A_12 = arith.addf %dot_general3A_8, %add3A : vector<2048x128xf32>
      %swap3A = arith.constant 0 : index
      %swap3A_13 = arith.constant 0 : index
      %swap3A_14 = vector.load %arg5[%swap3A, %swap3A_13] : memref<2048x128xf32, #tpu.memory_space<vmem>>, vector<2048x128xf32>
      tpu.vector_store %arg5[%swap3A, %swap3A_13], %add3A_12 {strides = array<i32>} : memref<2048x128xf32, #tpu.memory_space<vmem>>, vector<2048x128xf32>,
    } else {
    }
    return
  }
  func.func @transform_0(%arg0: i32, %arg1: memref<1xi32, #tpu.memory_space<smem>>) -> (i32, i32) {
    %get3A = arith.constant 0 : index
    %get3A_0 = memref.load %arg1[%get3A] : memref<1xi32, #tpu.memory_space<smem>>
    %min3A = arith.minsi %arg0, %get3A_0 : i32
    %c0_i32 = arith.constant 0 : i32
    %c0_i32_1 = arith.constant 0 : i32
    return %min3A, %c0_i32 : i32, i32
  }
  func.func @transform_1(%arg0: i32, %arg1: memref<1xi32, #tpu.memory_space<smem>>) -> (i32, i32) {
    %c0_i32 = arith.constant 0 : i32
    %c0_i32_0 = arith.constant 0 : i32
    %c0_i32_1 = arith.constant 0 : i32
    return %c0_i32, %c0_i32_0 : i32, i32
  }
  func.func @transform_2(%arg0: i32, %arg1: memref<1xi32, #tpu.memory_space<smem>>) -> (i32, i32) {
    %c0_i32 = arith.constant 0 : i32
    %c0_i32_0 = arith.constant 0 : i32
    %c0_i32_1 = arith.constant 0 : i32
    return %c0_i32, %c0_i32_0 : i32, i32
  }
  func.func @transform_3(%arg0: i32, %arg1: memref<1xi32, #tpu.memory_space<smem>>) -> (i32, i32) {
    %get3A = arith.constant 0 : index
    %get3A_0 = memref.load %arg1[%get3A] : memref<1xi32, #tpu.memory_space<smem>>
    %min3A = arith.minsi %arg0, %get3A_0 : i32
    %c0_i32 = arith.constant 0 : i32
    %c0_i32_1 = arith.constant 0 : i32
    return %min3A, %c0_i32 : i32, i32
  }
}

module attributes {stable_mosaic.version = 14 : i64} {
  func.func @_p2_body(%arg0: i32, %arg1: memref<1xi32, #tpu.memory_space<smem>>, %arg2: memref<2048x16xf32, #tpu.memory_space<vmem>>, %arg3: memref<16x128xf32, #tpu.memory_space<vmem>>, %arg4: memref<1x128xf32, #tpu.memory_space<vmem>>, %arg5: memref<2048x128xf32, #tpu.memory_space<vmem>>) attributes {dimension_semantics = [#tpu.dimension_semantics<arbitrary>], iteration_bounds = array<i64: 8>, scalar_prefetch = 1 : i64, scratch_operands = 0 : i64, tpu.core_type = #tpu.core_type<tc>, window_params = [{transform_indices = @transform_0, window_bounds = array<i64: 2048, 16>}, {pipeline_mode = #tpu.pipeline_mode<synchronous>, transform_indices = @transform_1, window_bounds = array<i64: 16, 128>}, {pipeline_mode = #tpu.pipeline_mode<synchronous>, transform_indices = @transform_2, window_bounds = array<i64: 1, 128>}, {transform_indices = @transform_3, window_bounds = array<i64: 2048, 128>}]} {
    %get3A = arith.constant 0 : index
    %get3A_0 = memref.load %arg1[%get3A] : memref<1xi32, #tpu.memory_space<smem>>
    %le3A = arith.cmpi sle, %arg0, %get3A_0 : i32
    %convert_element_type3A = arith.extui %le3A : i1 to i32
    %cond3A = arith.constant 0 : i32
    %cond3A_1 = arith.cmpi ne, %convert_element_type3A, %cond3A : i32
    scf.if %cond3A_1 {
      %get3A_2 = arith.constant 0 : index
      %get3A_3 = arith.constant 0 : index
      %get3A_4 = vector.load %arg2[%get3A_2, %get3A_3] : memref<2048x16xf32, #tpu.memory_space<vmem>>, vector<2048x16xf32>
      %get3A_5 = arith.constant 0 : index
      %get3A_6 = arith.constant 0 : index
      %get3A_7 = vector.load %arg3[%get3A_5, %get3A_6] : memref<16x128xf32, #tpu.memory_space<vmem>>, vector<16x128xf32>
      %dot_general3A = arith.constant dense<0.000000e+00> : vector<2048x128xf32>
      %dot_general3A_8 = tpu.matmul %get3A_4, %get3A_7, %dot_general3A {dimension_numbers = #tpu.dot_dimension_numbers<[1], [0], [0], [1], [0, 0, 1, 1], [], []>, transpose_lhs_hint = false} : vector<2048x16xf32>, vector<16x128xf32>, vector<2048x128xf32> -> vector<2048x128xf32>
      %get3A_9 = arith.constant 0 : index
      %get3A_10 = arith.constant 0 : index
      %get3A_11 = vector.load %arg4[%get3A_9, %get3A_10] : memref<1x128xf32, #tpu.memory_space<vmem>>, vector<1x128xf32>
      %add3A = vector.broadcast %get3A_11 : vector<1x128xf32> to vector<2048x128xf32>
      %add3A_12 = arith.addf %dot_general3A_8, %add3A : vector<2048x128xf32>
      %swap3A = arith.constant 0 : index
      %swap3A_13 = arith.constant 0 : index
      %swap3A_14 = vector.load %arg5[%swap3A, %swap3A_13] : memref<2048x128xf32, #tpu.memory_space<vmem>>, vector<2048x128xf32>
      tpu.vector_store %arg5[%swap3A, %swap3A_13], %add3A_12 {strides = array<i32>} : memref<2048x128xf32, #tpu.memory_space<vmem>>, vector<2048x128xf32>,
    } else {
    }
    return
  }
  func.func @transform_0(%arg0: i32, %arg1: memref<1xi32, #tpu.memory_space<smem>>) -> (i32, i32) {
    %get3A = arith.constant 0 : index
    %get3A_0 = memref.load %arg1[%get3A] : memref<1xi32, #tpu.memory_space<smem>>
    %min3A = arith.minsi %arg0, %get3A_0 : i32
    %c0_i32 = arith.constant 0 : i32
    %c0_i32_1 = arith.constant 0 : i32
    return %min3A, %c0_i32 : i32, i32
  }
  func.func @transform_1(%arg0: i32, %arg1: memref<1xi32, #tpu.memory_space<smem>>) -> (i32, i32) {
    %c0_i32 = arith.constant 0 : i32
    %c0_i32_0 = arith.constant 0 : i32
    %c0_i32_1 = arith.constant 0 : i32
    return %c0_i32, %c0_i32_0 : i32, i32
  }
  func.func @transform_2(%arg0: i32, %arg1: memref<1xi32, #tpu.memory_space<smem>>) -> (i32, i32) {
    %c0_i32 = arith.constant 0 : i32
    %c0_i32_0 = arith.constant 0 : i32
    %c0_i32_1 = arith.constant 0 : i32
    return %c0_i32, %c0_i32_0 : i32, i32
  }
  func.func @transform_3(%arg0: i32, %arg1: memref<1xi32, #tpu.memory_space<smem>>) -> (i32, i32) {
    %get3A = arith.constant 0 : index
    %get3A_0 = memref.load %arg1[%get3A] : memref<1xi32, #tpu.memory_space<smem>>
    %min3A = arith.minsi %arg0, %get3A_0 : i32
    %c0_i32 = arith.constant 0 : i32
    %c0_i32_1 = arith.constant 0 : i32
    return %min3A, %c0_i32 : i32, i32
  }
}

module attributes {stable_mosaic.version = 14 : i64} {
  func.func @_p2_body(%arg0: i32, %arg1: memref<1xi32, #tpu.memory_space<smem>>, %arg2: memref<2048x16xf32, #tpu.memory_space<vmem>>, %arg3: memref<16x128xf32, #tpu.memory_space<vmem>>, %arg4: memref<1x128xf32, #tpu.memory_space<vmem>>, %arg5: memref<2048x128xf32, #tpu.memory_space<vmem>>) attributes {dimension_semantics = [#tpu.dimension_semantics<arbitrary>], iteration_bounds = array<i64: 9>, scalar_prefetch = 1 : i64, scratch_operands = 0 : i64, tpu.core_type = #tpu.core_type<tc>, window_params = [{transform_indices = @transform_0, window_bounds = array<i64: 2048, 16>}, {pipeline_mode = #tpu.pipeline_mode<synchronous>, transform_indices = @transform_1, window_bounds = array<i64: 16, 128>}, {pipeline_mode = #tpu.pipeline_mode<synchronous>, transform_indices = @transform_2, window_bounds = array<i64: 1, 128>}, {transform_indices = @transform_3, window_bounds = array<i64: 2048, 128>}]} {
    %get3A = arith.constant 0 : index
    %get3A_0 = memref.load %arg1[%get3A] : memref<1xi32, #tpu.memory_space<smem>>
    %le3A = arith.cmpi sle, %arg0, %get3A_0 : i32
    %convert_element_type3A = arith.extui %le3A : i1 to i32
    %cond3A = arith.constant 0 : i32
    %cond3A_1 = arith.cmpi ne, %convert_element_type3A, %cond3A : i32
    scf.if %cond3A_1 {
      %get3A_2 = arith.constant 0 : index
      %get3A_3 = arith.constant 0 : index
      %get3A_4 = vector.load %arg2[%get3A_2, %get3A_3] : memref<2048x16xf32, #tpu.memory_space<vmem>>, vector<2048x16xf32>
      %get3A_5 = arith.constant 0 : index
      %get3A_6 = arith.constant 0 : index
      %get3A_7 = vector.load %arg3[%get3A_5, %get3A_6] : memref<16x128xf32, #tpu.memory_space<vmem>>, vector<16x128xf32>
      %dot_general3A = arith.constant dense<0.000000e+00> : vector<2048x128xf32>
      %dot_general3A_8 = tpu.matmul %get3A_4, %get3A_7, %dot_general3A {dimension_numbers = #tpu.dot_dimension_numbers<[1], [0], [0], [1], [0, 0, 1, 1], [], []>, transpose_lhs_hint = false} : vector<2048x16xf32>, vector<16x128xf32>, vector<2048x128xf32> -> vector<2048x128xf32>
      %get3A_9 = arith.constant 0 : index
      %get3A_10 = arith.constant 0 : index
      %get3A_11 = vector.load %arg4[%get3A_9, %get3A_10] : memref<1x128xf32, #tpu.memory_space<vmem>>, vector<1x128xf32>
      %add3A = vector.broadcast %get3A_11 : vector<1x128xf32> to vector<2048x128xf32>
      %add3A_12 = arith.addf %dot_general3A_8, %add3A : vector<2048x128xf32>
      %swap3A = arith.constant 0 : index
      %swap3A_13 = arith.constant 0 : index
      %swap3A_14 = vector.load %arg5[%swap3A, %swap3A_13] : memref<2048x128xf32, #tpu.memory_space<vmem>>, vector<2048x128xf32>
      tpu.vector_store %arg5[%swap3A, %swap3A_13], %add3A_12 {strides = array<i32>} : memref<2048x128xf32, #tpu.memory_space<vmem>>, vector<2048x128xf32>,
    } else {
    }
    return
  }
  func.func @transform_0(%arg0: i32, %arg1: memref<1xi32, #tpu.memory_space<smem>>) -> (i32, i32) {
    %get3A = arith.constant 0 : index
    %get3A_0 = memref.load %arg1[%get3A] : memref<1xi32, #tpu.memory_space<smem>>
    %min3A = arith.minsi %arg0, %get3A_0 : i32
    %c0_i32 = arith.constant 0 : i32
    %c0_i32_1 = arith.constant 0 : i32
    return %min3A, %c0_i32 : i32, i32
  }
  func.func @transform_1(%arg0: i32, %arg1: memref<1xi32, #tpu.memory_space<smem>>) -> (i32, i32) {
    %c0_i32 = arith.constant 0 : i32
    %c0_i32_0 = arith.constant 0 : i32
    %c0_i32_1 = arith.constant 0 : i32
    return %c0_i32, %c0_i32_0 : i32, i32
  }
  func.func @transform_2(%arg0: i32, %arg1: memref<1xi32, #tpu.memory_space<smem>>) -> (i32, i32) {
    %c0_i32 = arith.constant 0 : i32
    %c0_i32_0 = arith.constant 0 : i32
    %c0_i32_1 = arith.constant 0 : i32
    return %c0_i32, %c0_i32_0 : i32, i32
  }
  func.func @transform_3(%arg0: i32, %arg1: memref<1xi32, #tpu.memory_space<smem>>) -> (i32, i32) {
    %get3A = arith.constant 0 : index
    %get3A_0 = memref.load %arg1[%get3A] : memref<1xi32, #tpu.memory_space<smem>>
    %min3A = arith.minsi %arg0, %get3A_0 : i32
    %c0_i32 = arith.constant 0 : i32
    %c0_i32_1 = arith.constant 0 : i32
    return %min3A, %c0_i32 : i32, i32
  }
}

module attributes {stable_mosaic.version = 14 : i64} {
  func.func @_p2_body(%arg0: i32, %arg1: memref<1xi32, #tpu.memory_space<smem>>, %arg2: memref<2048x16xf32, #tpu.memory_space<vmem>>, %arg3: memref<16x128xf32, #tpu.memory_space<vmem>>, %arg4: memref<1x128xf32, #tpu.memory_space<vmem>>, %arg5: memref<2048x128xf32, #tpu.memory_space<vmem>>) attributes {dimension_semantics = [#tpu.dimension_semantics<arbitrary>], iteration_bounds = array<i64: 10>, scalar_prefetch = 1 : i64, scratch_operands = 0 : i64, tpu.core_type = #tpu.core_type<tc>, window_params = [{transform_indices = @transform_0, window_bounds = array<i64: 2048, 16>}, {pipeline_mode = #tpu.pipeline_mode<synchronous>, transform_indices = @transform_1, window_bounds = array<i64: 16, 128>}, {pipeline_mode = #tpu.pipeline_mode<synchronous>, transform_indices = @transform_2, window_bounds = array<i64: 1, 128>}, {transform_indices = @transform_3, window_bounds = array<i64: 2048, 128>}]} {
    %get3A = arith.constant 0 : index
    %get3A_0 = memref.load %arg1[%get3A] : memref<1xi32, #tpu.memory_space<smem>>
    %le3A = arith.cmpi sle, %arg0, %get3A_0 : i32
    %convert_element_type3A = arith.extui %le3A : i1 to i32
    %cond3A = arith.constant 0 : i32
    %cond3A_1 = arith.cmpi ne, %convert_element_type3A, %cond3A : i32
    scf.if %cond3A_1 {
      %get3A_2 = arith.constant 0 : index
      %get3A_3 = arith.constant 0 : index
      %get3A_4 = vector.load %arg2[%get3A_2, %get3A_3] : memref<2048x16xf32, #tpu.memory_space<vmem>>, vector<2048x16xf32>
      %get3A_5 = arith.constant 0 : index
      %get3A_6 = arith.constant 0 : index
      %get3A_7 = vector.load %arg3[%get3A_5, %get3A_6] : memref<16x128xf32, #tpu.memory_space<vmem>>, vector<16x128xf32>
      %dot_general3A = arith.constant dense<0.000000e+00> : vector<2048x128xf32>
      %dot_general3A_8 = tpu.matmul %get3A_4, %get3A_7, %dot_general3A {dimension_numbers = #tpu.dot_dimension_numbers<[1], [0], [0], [1], [0, 0, 1, 1], [], []>, transpose_lhs_hint = false} : vector<2048x16xf32>, vector<16x128xf32>, vector<2048x128xf32> -> vector<2048x128xf32>
      %get3A_9 = arith.constant 0 : index
      %get3A_10 = arith.constant 0 : index
      %get3A_11 = vector.load %arg4[%get3A_9, %get3A_10] : memref<1x128xf32, #tpu.memory_space<vmem>>, vector<1x128xf32>
      %add3A = vector.broadcast %get3A_11 : vector<1x128xf32> to vector<2048x128xf32>
      %add3A_12 = arith.addf %dot_general3A_8, %add3A : vector<2048x128xf32>
      %swap3A = arith.constant 0 : index
      %swap3A_13 = arith.constant 0 : index
      %swap3A_14 = vector.load %arg5[%swap3A, %swap3A_13] : memref<2048x128xf32, #tpu.memory_space<vmem>>, vector<2048x128xf32>
      tpu.vector_store %arg5[%swap3A, %swap3A_13], %add3A_12 {strides = array<i32>} : memref<2048x128xf32, #tpu.memory_space<vmem>>, vector<2048x128xf32>,
    } else {
    }
    return
  }
  func.func @transform_0(%arg0: i32, %arg1: memref<1xi32, #tpu.memory_space<smem>>) -> (i32, i32) {
    %get3A = arith.constant 0 : index
    %get3A_0 = memref.load %arg1[%get3A] : memref<1xi32, #tpu.memory_space<smem>>
    %min3A = arith.minsi %arg0, %get3A_0 : i32
    %c0_i32 = arith.constant 0 : i32
    %c0_i32_1 = arith.constant 0 : i32
    return %min3A, %c0_i32 : i32, i32
  }
  func.func @transform_1(%arg0: i32, %arg1: memref<1xi32, #tpu.memory_space<smem>>) -> (i32, i32) {
    %c0_i32 = arith.constant 0 : i32
    %c0_i32_0 = arith.constant 0 : i32
    %c0_i32_1 = arith.constant 0 : i32
    return %c0_i32, %c0_i32_0 : i32, i32
  }
  func.func @transform_2(%arg0: i32, %arg1: memref<1xi32, #tpu.memory_space<smem>>) -> (i32, i32) {
    %c0_i32 = arith.constant 0 : i32
    %c0_i32_0 = arith.constant 0 : i32
    %c0_i32_1 = arith.constant 0 : i32
    return %c0_i32, %c0_i32_0 : i32, i32
  }
  func.func @transform_3(%arg0: i32, %arg1: memref<1xi32, #tpu.memory_space<smem>>) -> (i32, i32) {
    %get3A = arith.constant 0 : index
    %get3A_0 = memref.load %arg1[%get3A] : memref<1xi32, #tpu.memory_space<smem>>
    %min3A = arith.minsi %arg0, %get3A_0 : i32
    %c0_i32 = arith.constant 0 : i32
    %c0_i32_1 = arith.constant 0 : i32
    return %min3A, %c0_i32 : i32, i32
  }
}

module attributes {stable_mosaic.version = 14 : i64} {
  func.func @_p2_body(%arg0: i32, %arg1: memref<1xi32, #tpu.memory_space<smem>>, %arg2: memref<2048x16xf32, #tpu.memory_space<vmem>>, %arg3: memref<16x128xf32, #tpu.memory_space<vmem>>, %arg4: memref<1x128xf32, #tpu.memory_space<vmem>>, %arg5: memref<2048x128xf32, #tpu.memory_space<vmem>>) attributes {dimension_semantics = [#tpu.dimension_semantics<arbitrary>], iteration_bounds = array<i64: 12>, scalar_prefetch = 1 : i64, scratch_operands = 0 : i64, tpu.core_type = #tpu.core_type<tc>, window_params = [{transform_indices = @transform_0, window_bounds = array<i64: 2048, 16>}, {pipeline_mode = #tpu.pipeline_mode<synchronous>, transform_indices = @transform_1, window_bounds = array<i64: 16, 128>}, {pipeline_mode = #tpu.pipeline_mode<synchronous>, transform_indices = @transform_2, window_bounds = array<i64: 1, 128>}, {transform_indices = @transform_3, window_bounds = array<i64: 2048, 128>}]} {
    %get3A = arith.constant 0 : index
    %get3A_0 = memref.load %arg1[%get3A] : memref<1xi32, #tpu.memory_space<smem>>
    %le3A = arith.cmpi sle, %arg0, %get3A_0 : i32
    %convert_element_type3A = arith.extui %le3A : i1 to i32
    %cond3A = arith.constant 0 : i32
    %cond3A_1 = arith.cmpi ne, %convert_element_type3A, %cond3A : i32
    scf.if %cond3A_1 {
      %get3A_2 = arith.constant 0 : index
      %get3A_3 = arith.constant 0 : index
      %get3A_4 = vector.load %arg2[%get3A_2, %get3A_3] : memref<2048x16xf32, #tpu.memory_space<vmem>>, vector<2048x16xf32>
      %get3A_5 = arith.constant 0 : index
      %get3A_6 = arith.constant 0 : index
      %get3A_7 = vector.load %arg3[%get3A_5, %get3A_6] : memref<16x128xf32, #tpu.memory_space<vmem>>, vector<16x128xf32>
      %dot_general3A = arith.constant dense<0.000000e+00> : vector<2048x128xf32>
      %dot_general3A_8 = tpu.matmul %get3A_4, %get3A_7, %dot_general3A {dimension_numbers = #tpu.dot_dimension_numbers<[1], [0], [0], [1], [0, 0, 1, 1], [], []>, transpose_lhs_hint = false} : vector<2048x16xf32>, vector<16x128xf32>, vector<2048x128xf32> -> vector<2048x128xf32>
      %get3A_9 = arith.constant 0 : index
      %get3A_10 = arith.constant 0 : index
      %get3A_11 = vector.load %arg4[%get3A_9, %get3A_10] : memref<1x128xf32, #tpu.memory_space<vmem>>, vector<1x128xf32>
      %add3A = vector.broadcast %get3A_11 : vector<1x128xf32> to vector<2048x128xf32>
      %add3A_12 = arith.addf %dot_general3A_8, %add3A : vector<2048x128xf32>
      %swap3A = arith.constant 0 : index
      %swap3A_13 = arith.constant 0 : index
      %swap3A_14 = vector.load %arg5[%swap3A, %swap3A_13] : memref<2048x128xf32, #tpu.memory_space<vmem>>, vector<2048x128xf32>
      tpu.vector_store %arg5[%swap3A, %swap3A_13], %add3A_12 {strides = array<i32>} : memref<2048x128xf32, #tpu.memory_space<vmem>>, vector<2048x128xf32>,
    } else {
    }
    return
  }
  func.func @transform_0(%arg0: i32, %arg1: memref<1xi32, #tpu.memory_space<smem>>) -> (i32, i32) {
    %get3A = arith.constant 0 : index
    %get3A_0 = memref.load %arg1[%get3A] : memref<1xi32, #tpu.memory_space<smem>>
    %min3A = arith.minsi %arg0, %get3A_0 : i32
    %c0_i32 = arith.constant 0 : i32
    %c0_i32_1 = arith.constant 0 : i32
    return %min3A, %c0_i32 : i32, i32
  }
  func.func @transform_1(%arg0: i32, %arg1: memref<1xi32, #tpu.memory_space<smem>>) -> (i32, i32) {
    %c0_i32 = arith.constant 0 : i32
    %c0_i32_0 = arith.constant 0 : i32
    %c0_i32_1 = arith.constant 0 : i32
    return %c0_i32, %c0_i32_0 : i32, i32
  }
  func.func @transform_2(%arg0: i32, %arg1: memref<1xi32, #tpu.memory_space<smem>>) -> (i32, i32) {
    %c0_i32 = arith.constant 0 : i32
    %c0_i32_0 = arith.constant 0 : i32
    %c0_i32_1 = arith.constant 0 : i32
    return %c0_i32, %c0_i32_0 : i32, i32
  }
  func.func @transform_3(%arg0: i32, %arg1: memref<1xi32, #tpu.memory_space<smem>>) -> (i32, i32) {
    %get3A = arith.constant 0 : index
    %get3A_0 = memref.load %arg1[%get3A] : memref<1xi32, #tpu.memory_space<smem>>
    %min3A = arith.minsi %arg0, %get3A_0 : i32
    %c0_i32 = arith.constant 0 : i32
    %c0_i32_1 = arith.constant 0 : i32
    return %min3A, %c0_i32 : i32, i32
  }
}

module attributes {stable_mosaic.version = 14 : i64} {
  func.func @_p2_body(%arg0: i32, %arg1: memref<1xi32, #tpu.memory_space<smem>>, %arg2: memref<2048x16xf32, #tpu.memory_space<vmem>>, %arg3: memref<16x128xf32, #tpu.memory_space<vmem>>, %arg4: memref<1x128xf32, #tpu.memory_space<vmem>>, %arg5: memref<2048x128xf32, #tpu.memory_space<vmem>>) attributes {dimension_semantics = [#tpu.dimension_semantics<arbitrary>], iteration_bounds = array<i64: 16>, scalar_prefetch = 1 : i64, scratch_operands = 0 : i64, tpu.core_type = #tpu.core_type<tc>, window_params = [{transform_indices = @transform_0, window_bounds = array<i64: 2048, 16>}, {pipeline_mode = #tpu.pipeline_mode<synchronous>, transform_indices = @transform_1, window_bounds = array<i64: 16, 128>}, {pipeline_mode = #tpu.pipeline_mode<synchronous>, transform_indices = @transform_2, window_bounds = array<i64: 1, 128>}, {transform_indices = @transform_3, window_bounds = array<i64: 2048, 128>}]} {
    %get3A = arith.constant 0 : index
    %get3A_0 = memref.load %arg1[%get3A] : memref<1xi32, #tpu.memory_space<smem>>
    %le3A = arith.cmpi sle, %arg0, %get3A_0 : i32
    %convert_element_type3A = arith.extui %le3A : i1 to i32
    %cond3A = arith.constant 0 : i32
    %cond3A_1 = arith.cmpi ne, %convert_element_type3A, %cond3A : i32
    scf.if %cond3A_1 {
      %get3A_2 = arith.constant 0 : index
      %get3A_3 = arith.constant 0 : index
      %get3A_4 = vector.load %arg2[%get3A_2, %get3A_3] : memref<2048x16xf32, #tpu.memory_space<vmem>>, vector<2048x16xf32>
      %get3A_5 = arith.constant 0 : index
      %get3A_6 = arith.constant 0 : index
      %get3A_7 = vector.load %arg3[%get3A_5, %get3A_6] : memref<16x128xf32, #tpu.memory_space<vmem>>, vector<16x128xf32>
      %dot_general3A = arith.constant dense<0.000000e+00> : vector<2048x128xf32>
      %dot_general3A_8 = tpu.matmul %get3A_4, %get3A_7, %dot_general3A {dimension_numbers = #tpu.dot_dimension_numbers<[1], [0], [0], [1], [0, 0, 1, 1], [], []>, transpose_lhs_hint = false} : vector<2048x16xf32>, vector<16x128xf32>, vector<2048x128xf32> -> vector<2048x128xf32>
      %get3A_9 = arith.constant 0 : index
      %get3A_10 = arith.constant 0 : index
      %get3A_11 = vector.load %arg4[%get3A_9, %get3A_10] : memref<1x128xf32, #tpu.memory_space<vmem>>, vector<1x128xf32>
      %add3A = vector.broadcast %get3A_11 : vector<1x128xf32> to vector<2048x128xf32>
      %add3A_12 = arith.addf %dot_general3A_8, %add3A : vector<2048x128xf32>
      %swap3A = arith.constant 0 : index
      %swap3A_13 = arith.constant 0 : index
      %swap3A_14 = vector.load %arg5[%swap3A, %swap3A_13] : memref<2048x128xf32, #tpu.memory_space<vmem>>, vector<2048x128xf32>
      tpu.vector_store %arg5[%swap3A, %swap3A_13], %add3A_12 {strides = array<i32>} : memref<2048x128xf32, #tpu.memory_space<vmem>>, vector<2048x128xf32>,
    } else {
    }
    return
  }
  func.func @transform_0(%arg0: i32, %arg1: memref<1xi32, #tpu.memory_space<smem>>) -> (i32, i32) {
    %get3A = arith.constant 0 : index
    %get3A_0 = memref.load %arg1[%get3A] : memref<1xi32, #tpu.memory_space<smem>>
    %min3A = arith.minsi %arg0, %get3A_0 : i32
    %c0_i32 = arith.constant 0 : i32
    %c0_i32_1 = arith.constant 0 : i32
    return %min3A, %c0_i32 : i32, i32
  }
  func.func @transform_1(%arg0: i32, %arg1: memref<1xi32, #tpu.memory_space<smem>>) -> (i32, i32) {
    %c0_i32 = arith.constant 0 : i32
    %c0_i32_0 = arith.constant 0 : i32
    %c0_i32_1 = arith.constant 0 : i32
    return %c0_i32, %c0_i32_0 : i32, i32
  }
  func.func @transform_2(%arg0: i32, %arg1: memref<1xi32, #tpu.memory_space<smem>>) -> (i32, i32) {
    %c0_i32 = arith.constant 0 : i32
    %c0_i32_0 = arith.constant 0 : i32
    %c0_i32_1 = arith.constant 0 : i32
    return %c0_i32, %c0_i32_0 : i32, i32
  }
  func.func @transform_3(%arg0: i32, %arg1: memref<1xi32, #tpu.memory_space<smem>>) -> (i32, i32) {
    %get3A = arith.constant 0 : index
    %get3A_0 = memref.load %arg1[%get3A] : memref<1xi32, #tpu.memory_space<smem>>
    %min3A = arith.minsi %arg0, %get3A_0 : i32
    %c0_i32 = arith.constant 0 : i32
    %c0_i32_1 = arith.constant 0 : i32
    return %min3A, %c0_i32 : i32, i32
  }
}

module attributes {stable_mosaic.version = 14 : i64} {
  func.func @_p2_body(%arg0: i32, %arg1: memref<1xi32, #tpu.memory_space<smem>>, %arg2: memref<2048x16xf32, #tpu.memory_space<vmem>>, %arg3: memref<16x128xf32, #tpu.memory_space<vmem>>, %arg4: memref<1x128xf32, #tpu.memory_space<vmem>>, %arg5: memref<2048x128xf32, #tpu.memory_space<vmem>>) attributes {dimension_semantics = [#tpu.dimension_semantics<arbitrary>], iteration_bounds = array<i64: 32>, scalar_prefetch = 1 : i64, scratch_operands = 0 : i64, tpu.core_type = #tpu.core_type<tc>, window_params = [{transform_indices = @transform_0, window_bounds = array<i64: 2048, 16>}, {pipeline_mode = #tpu.pipeline_mode<synchronous>, transform_indices = @transform_1, window_bounds = array<i64: 16, 128>}, {pipeline_mode = #tpu.pipeline_mode<synchronous>, transform_indices = @transform_2, window_bounds = array<i64: 1, 128>}, {transform_indices = @transform_3, window_bounds = array<i64: 2048, 128>}]} {
    %get3A = arith.constant 0 : index
    %get3A_0 = memref.load %arg1[%get3A] : memref<1xi32, #tpu.memory_space<smem>>
    %le3A = arith.cmpi sle, %arg0, %get3A_0 : i32
    %convert_element_type3A = arith.extui %le3A : i1 to i32
    %cond3A = arith.constant 0 : i32
    %cond3A_1 = arith.cmpi ne, %convert_element_type3A, %cond3A : i32
    scf.if %cond3A_1 {
      %get3A_2 = arith.constant 0 : index
      %get3A_3 = arith.constant 0 : index
      %get3A_4 = vector.load %arg2[%get3A_2, %get3A_3] : memref<2048x16xf32, #tpu.memory_space<vmem>>, vector<2048x16xf32>
      %get3A_5 = arith.constant 0 : index
      %get3A_6 = arith.constant 0 : index
      %get3A_7 = vector.load %arg3[%get3A_5, %get3A_6] : memref<16x128xf32, #tpu.memory_space<vmem>>, vector<16x128xf32>
      %dot_general3A = arith.constant dense<0.000000e+00> : vector<2048x128xf32>
      %dot_general3A_8 = tpu.matmul %get3A_4, %get3A_7, %dot_general3A {dimension_numbers = #tpu.dot_dimension_numbers<[1], [0], [0], [1], [0, 0, 1, 1], [], []>, transpose_lhs_hint = false} : vector<2048x16xf32>, vector<16x128xf32>, vector<2048x128xf32> -> vector<2048x128xf32>
      %get3A_9 = arith.constant 0 : index
      %get3A_10 = arith.constant 0 : index
      %get3A_11 = vector.load %arg4[%get3A_9, %get3A_10] : memref<1x128xf32, #tpu.memory_space<vmem>>, vector<1x128xf32>
      %add3A = vector.broadcast %get3A_11 : vector<1x128xf32> to vector<2048x128xf32>
      %add3A_12 = arith.addf %dot_general3A_8, %add3A : vector<2048x128xf32>
      %swap3A = arith.constant 0 : index
      %swap3A_13 = arith.constant 0 : index
      %swap3A_14 = vector.load %arg5[%swap3A, %swap3A_13] : memref<2048x128xf32, #tpu.memory_space<vmem>>, vector<2048x128xf32>
      tpu.vector_store %arg5[%swap3A, %swap3A_13], %add3A_12 {strides = array<i32>} : memref<2048x128xf32, #tpu.memory_space<vmem>>, vector<2048x128xf32>,
    } else {
    }
    return
  }
  func.func @transform_0(%arg0: i32, %arg1: memref<1xi32, #tpu.memory_space<smem>>) -> (i32, i32) {
    %get3A = arith.constant 0 : index
    %get3A_0 = memref.load %arg1[%get3A] : memref<1xi32, #tpu.memory_space<smem>>
    %min3A = arith.minsi %arg0, %get3A_0 : i32
    %c0_i32 = arith.constant 0 : i32
    %c0_i32_1 = arith.constant 0 : i32
    return %min3A, %c0_i32 : i32, i32
  }
  func.func @transform_1(%arg0: i32, %arg1: memref<1xi32, #tpu.memory_space<smem>>) -> (i32, i32) {
    %c0_i32 = arith.constant 0 : i32
    %c0_i32_0 = arith.constant 0 : i32
    %c0_i32_1 = arith.constant 0 : i32
    return %c0_i32, %c0_i32_0 : i32, i32
  }
  func.func @transform_2(%arg0: i32, %arg1: memref<1xi32, #tpu.memory_space<smem>>) -> (i32, i32) {
    %c0_i32 = arith.constant 0 : i32
    %c0_i32_0 = arith.constant 0 : i32
    %c0_i32_1 = arith.constant 0 : i32
    return %c0_i32, %c0_i32_0 : i32, i32
  }
  func.func @transform_3(%arg0: i32, %arg1: memref<1xi32, #tpu.memory_space<smem>>) -> (i32, i32) {
    %get3A = arith.constant 0 : index
    %get3A_0 = memref.load %arg1[%get3A] : memref<1xi32, #tpu.memory_space<smem>>
    %min3A = arith.minsi %arg0, %get3A_0 : i32
    %c0_i32 = arith.constant 0 : i32
    %c0_i32_1 = arith.constant 0 : i32
    return %min3A, %c0_i32 : i32, i32
  }
}

module attributes {stable_mosaic.version = 14 : i64} {
  func.func @_p2_body(%arg0: i32, %arg1: memref<1xi32, #tpu.memory_space<smem>>, %arg2: memref<2048x16xf32, #tpu.memory_space<vmem>>, %arg3: memref<16x128xf32, #tpu.memory_space<vmem>>, %arg4: memref<1x128xf32, #tpu.memory_space<vmem>>, %arg5: memref<2048x128xf32, #tpu.memory_space<vmem>>) attributes {dimension_semantics = [#tpu.dimension_semantics<arbitrary>], iteration_bounds = array<i64: 64>, scalar_prefetch = 1 : i64, scratch_operands = 0 : i64, tpu.core_type = #tpu.core_type<tc>, window_params = [{transform_indices = @transform_0, window_bounds = array<i64: 2048, 16>}, {pipeline_mode = #tpu.pipeline_mode<synchronous>, transform_indices = @transform_1, window_bounds = array<i64: 16, 128>}, {pipeline_mode = #tpu.pipeline_mode<synchronous>, transform_indices = @transform_2, window_bounds = array<i64: 1, 128>}, {transform_indices = @transform_3, window_bounds = array<i64: 2048, 128>}]} {
    %get3A = arith.constant 0 : index
    %get3A_0 = memref.load %arg1[%get3A] : memref<1xi32, #tpu.memory_space<smem>>
    %le3A = arith.cmpi sle, %arg0, %get3A_0 : i32
    %convert_element_type3A = arith.extui %le3A : i1 to i32
    %cond3A = arith.constant 0 : i32
    %cond3A_1 = arith.cmpi ne, %convert_element_type3A, %cond3A : i32
    scf.if %cond3A_1 {
      %get3A_2 = arith.constant 0 : index
      %get3A_3 = arith.constant 0 : index
      %get3A_4 = vector.load %arg2[%get3A_2, %get3A_3] : memref<2048x16xf32, #tpu.memory_space<vmem>>, vector<2048x16xf32>
      %get3A_5 = arith.constant 0 : index
      %get3A_6 = arith.constant 0 : index
      %get3A_7 = vector.load %arg3[%get3A_5, %get3A_6] : memref<16x128xf32, #tpu.memory_space<vmem>>, vector<16x128xf32>
      %dot_general3A = arith.constant dense<0.000000e+00> : vector<2048x128xf32>
      %dot_general3A_8 = tpu.matmul %get3A_4, %get3A_7, %dot_general3A {dimension_numbers = #tpu.dot_dimension_numbers<[1], [0], [0], [1], [0, 0, 1, 1], [], []>, transpose_lhs_hint = false} : vector<2048x16xf32>, vector<16x128xf32>, vector<2048x128xf32> -> vector<2048x128xf32>
      %get3A_9 = arith.constant 0 : index
      %get3A_10 = arith.constant 0 : index
      %get3A_11 = vector.load %arg4[%get3A_9, %get3A_10] : memref<1x128xf32, #tpu.memory_space<vmem>>, vector<1x128xf32>
      %add3A = vector.broadcast %get3A_11 : vector<1x128xf32> to vector<2048x128xf32>
      %add3A_12 = arith.addf %dot_general3A_8, %add3A : vector<2048x128xf32>
      %swap3A = arith.constant 0 : index
      %swap3A_13 = arith.constant 0 : index
      %swap3A_14 = vector.load %arg5[%swap3A, %swap3A_13] : memref<2048x128xf32, #tpu.memory_space<vmem>>, vector<2048x128xf32>
      tpu.vector_store %arg5[%swap3A, %swap3A_13], %add3A_12 {strides = array<i32>} : memref<2048x128xf32, #tpu.memory_space<vmem>>, vector<2048x128xf32>,
    } else {
    }
    return
  }
  func.func @transform_0(%arg0: i32, %arg1: memref<1xi32, #tpu.memory_space<smem>>) -> (i32, i32) {
    %get3A = arith.constant 0 : index
    %get3A_0 = memref.load %arg1[%get3A] : memref<1xi32, #tpu.memory_space<smem>>
    %min3A = arith.minsi %arg0, %get3A_0 : i32
    %c0_i32 = arith.constant 0 : i32
    %c0_i32_1 = arith.constant 0 : i32
    return %min3A, %c0_i32 : i32, i32
  }
  func.func @transform_1(%arg0: i32, %arg1: memref<1xi32, #tpu.memory_space<smem>>) -> (i32, i32) {
    %c0_i32 = arith.constant 0 : i32
    %c0_i32_0 = arith.constant 0 : i32
    %c0_i32_1 = arith.constant 0 : i32
    return %c0_i32, %c0_i32_0 : i32, i32
  }
  func.func @transform_2(%arg0: i32, %arg1: memref<1xi32, #tpu.memory_space<smem>>) -> (i32, i32) {
    %c0_i32 = arith.constant 0 : i32
    %c0_i32_0 = arith.constant 0 : i32
    %c0_i32_1 = arith.constant 0 : i32
    return %c0_i32, %c0_i32_0 : i32, i32
  }
  func.func @transform_3(%arg0: i32, %arg1: memref<1xi32, #tpu.memory_space<smem>>) -> (i32, i32) {
    %get3A = arith.constant 0 : index
    %get3A_0 = memref.load %arg1[%get3A] : memref<1xi32, #tpu.memory_space<smem>>
    %min3A = arith.minsi %arg0, %get3A_0 : i32
    %c0_i32 = arith.constant 0 : i32
    %c0_i32_1 = arith.constant 0 : i32
    return %min3A, %c0_i32 : i32, i32
  }
}

module attributes {stable_mosaic.version = 14 : i64} {
  func.func @_p2_body(%arg0: i32, %arg1: memref<1xi32, #tpu.memory_space<smem>>, %arg2: memref<2048x16xf32, #tpu.memory_space<vmem>>, %arg3: memref<16x128xf32, #tpu.memory_space<vmem>>, %arg4: memref<1x128xf32, #tpu.memory_space<vmem>>, %arg5: memref<2048x128xf32, #tpu.memory_space<vmem>>) attributes {dimension_semantics = [#tpu.dimension_semantics<arbitrary>], iteration_bounds = array<i64: 157>, scalar_prefetch = 1 : i64, scratch_operands = 0 : i64, tpu.core_type = #tpu.core_type<tc>, window_params = [{transform_indices = @transform_0, window_bounds = array<i64: 2048, 16>}, {pipeline_mode = #tpu.pipeline_mode<synchronous>, transform_indices = @transform_1, window_bounds = array<i64: 16, 128>}, {pipeline_mode = #tpu.pipeline_mode<synchronous>, transform_indices = @transform_2, window_bounds = array<i64: 1, 128>}, {transform_indices = @transform_3, window_bounds = array<i64: 2048, 128>}]} {
    %get3A = arith.constant 0 : index
    %get3A_0 = memref.load %arg1[%get3A] : memref<1xi32, #tpu.memory_space<smem>>
    %le3A = arith.cmpi sle, %arg0, %get3A_0 : i32
    %convert_element_type3A = arith.extui %le3A : i1 to i32
    %cond3A = arith.constant 0 : i32
    %cond3A_1 = arith.cmpi ne, %convert_element_type3A, %cond3A : i32
    scf.if %cond3A_1 {
      %get3A_2 = arith.constant 0 : index
      %get3A_3 = arith.constant 0 : index
      %get3A_4 = vector.load %arg2[%get3A_2, %get3A_3] : memref<2048x16xf32, #tpu.memory_space<vmem>>, vector<2048x16xf32>
      %get3A_5 = arith.constant 0 : index
      %get3A_6 = arith.constant 0 : index
      %get3A_7 = vector.load %arg3[%get3A_5, %get3A_6] : memref<16x128xf32, #tpu.memory_space<vmem>>, vector<16x128xf32>
      %dot_general3A = arith.constant dense<0.000000e+00> : vector<2048x128xf32>
      %dot_general3A_8 = tpu.matmul %get3A_4, %get3A_7, %dot_general3A {dimension_numbers = #tpu.dot_dimension_numbers<[1], [0], [0], [1], [0, 0, 1, 1], [], []>, transpose_lhs_hint = false} : vector<2048x16xf32>, vector<16x128xf32>, vector<2048x128xf32> -> vector<2048x128xf32>
      %get3A_9 = arith.constant 0 : index
      %get3A_10 = arith.constant 0 : index
      %get3A_11 = vector.load %arg4[%get3A_9, %get3A_10] : memref<1x128xf32, #tpu.memory_space<vmem>>, vector<1x128xf32>
      %add3A = vector.broadcast %get3A_11 : vector<1x128xf32> to vector<2048x128xf32>
      %add3A_12 = arith.addf %dot_general3A_8, %add3A : vector<2048x128xf32>
      %swap3A = arith.constant 0 : index
      %swap3A_13 = arith.constant 0 : index
      %swap3A_14 = vector.load %arg5[%swap3A, %swap3A_13] : memref<2048x128xf32, #tpu.memory_space<vmem>>, vector<2048x128xf32>
      tpu.vector_store %arg5[%swap3A, %swap3A_13], %add3A_12 {strides = array<i32>} : memref<2048x128xf32, #tpu.memory_space<vmem>>, vector<2048x128xf32>,
    } else {
    }
    return
  }
  func.func @transform_0(%arg0: i32, %arg1: memref<1xi32, #tpu.memory_space<smem>>) -> (i32, i32) {
    %get3A = arith.constant 0 : index
    %get3A_0 = memref.load %arg1[%get3A] : memref<1xi32, #tpu.memory_space<smem>>
    %min3A = arith.minsi %arg0, %get3A_0 : i32
    %c0_i32 = arith.constant 0 : i32
    %c0_i32_1 = arith.constant 0 : i32
    return %min3A, %c0_i32 : i32, i32
  }
  func.func @transform_1(%arg0: i32, %arg1: memref<1xi32, #tpu.memory_space<smem>>) -> (i32, i32) {
    %c0_i32 = arith.constant 0 : i32
    %c0_i32_0 = arith.constant 0 : i32
    %c0_i32_1 = arith.constant 0 : i32
    return %c0_i32, %c0_i32_0 : i32, i32
  }
  func.func @transform_2(%arg0: i32, %arg1: memref<1xi32, #tpu.memory_space<smem>>) -> (i32, i32) {
    %c0_i32 = arith.constant 0 : i32
    %c0_i32_0 = arith.constant 0 : i32
    %c0_i32_1 = arith.constant 0 : i32
    return %c0_i32, %c0_i32_0 : i32, i32
  }
  func.func @transform_3(%arg0: i32, %arg1: memref<1xi32, #tpu.memory_space<smem>>) -> (i32, i32) {
    %get3A = arith.constant 0 : index
    %get3A_0 = memref.load %arg1[%get3A] : memref<1xi32, #tpu.memory_space<smem>>
    %min3A = arith.minsi %arg0, %get3A_0 : i32
    %c0_i32 = arith.constant 0 : i32
    %c0_i32_1 = arith.constant 0 : i32
    return %min3A, %c0_i32 : i32, i32
  }
}

module attributes {stable_mosaic.version = 14 : i64} {
  func.func @_p1_body(%arg0: i32, %arg1: memref<2000x128xf32, #tpu.memory_space<vmem>>, %arg2: memref<128x128xf32, #tpu.memory_space<vmem>>, %arg3: memref<128x128xf32, #tpu.memory_space<vmem>>, %arg4: memref<2000x128xf32, #tpu.memory_space<vmem>>, %arg5: memref<512x128xf32, #tpu.memory_space<vmem>>) attributes {dimension_semantics = [#tpu.dimension_semantics<arbitrary>], iteration_bounds = array<i64: 5>, scalar_prefetch = 0 : i64, scratch_operands = 0 : i64, tpu.core_type = #tpu.core_type<tc>, window_params = [{transform_indices = @transform_0, window_bounds = array<i64: 2000, 128>}, {pipeline_mode = #tpu.pipeline_mode<synchronous>, transform_indices = @transform_1, window_bounds = array<i64: 128, 128>}, {pipeline_mode = #tpu.pipeline_mode<synchronous>, transform_indices = @transform_2, window_bounds = array<i64: 128, 128>}, {transform_indices = @transform_3, window_bounds = array<i64: 2000, 128>}, {pipeline_mode = #tpu.pipeline_mode<synchronous>, transform_indices = @transform_4, window_bounds = array<i64: 512, 128>}]} {
    %get3A = arith.constant 0 : index
    %get3A_0 = arith.constant 0 : index
    %get3A_1 = vector.load %arg1[%get3A, %get3A_0] : memref<2000x128xf32, #tpu.memory_space<vmem>>, vector<2000x128xf32>
    %get3A_2 = arith.constant 0 : index
    %get3A_3 = arith.constant 0 : index
    %get3A_4 = vector.load %arg2[%get3A_2, %get3A_3] : memref<128x128xf32, #tpu.memory_space<vmem>>, vector<128x128xf32>
    %dot_general3A = arith.constant dense<0.000000e+00> : vector<2000x128xf32>
    %dot_general3A_5 = tpu.matmul %get3A_1, %get3A_4, %dot_general3A {dimension_numbers = #tpu.dot_dimension_numbers<[1], [0], [0], [1], [0, 0, 1, 1], [], []>, transpose_lhs_hint = false} : vector<2000x128xf32>, vector<128x128xf32>, vector<2000x128xf32> -> vector<2000x128xf32>
    %swap3A = arith.constant 0 : index
    %swap3A_6 = arith.constant 0 : index
    %swap3A_7 = vector.load %arg4[%swap3A, %swap3A_6] : memref<2000x128xf32, #tpu.memory_space<vmem>>, vector<2000x128xf32>
    tpu.vector_store %arg4[%swap3A, %swap3A_6], %dot_general3A_5 {strides = array<i32>} : memref<2000x128xf32, #tpu.memory_space<vmem>>, vector<2000x128xf32>,
    %eq3A = arith.constant 0 : i32
    %eq3A_8 = arith.cmpi eq, %arg0, %eq3A : i32
    %convert_element_type3A = arith.extui %eq3A_8 : i1 to i32
    %cond3A = arith.constant 0 : i32
    %cond3A_9 = arith.cmpi ne, %convert_element_type3A, %cond3A : i32
    scf.if %cond3A_9 {
      %get3A_10 = arith.constant 0 : index
      %get3A_11 = arith.constant 0 : index
      %get3A_12 = vector.load %arg1[%get3A_10, %get3A_11] : memref<2000x128xf32, #tpu.memory_space<vmem>>, vector<512x128xf32>
      %get3A_13 = arith.constant 0 : index
      %get3A_14 = arith.constant 0 : index
      %get3A_15 = vector.load %arg3[%get3A_13, %get3A_14] : memref<128x128xf32, #tpu.memory_space<vmem>>, vector<128x128xf32>
      %dot_general3A_16 = arith.constant dense<0.000000e+00> : vector<512x128xf32>
      %dot_general3A_17 = tpu.matmul %get3A_12, %get3A_15, %dot_general3A_16 {dimension_numbers = #tpu.dot_dimension_numbers<[1], [0], [0], [1], [0, 0, 1, 1], [], []>, transpose_lhs_hint = false} : vector<512x128xf32>, vector<128x128xf32>, vector<512x128xf32> -> vector<512x128xf32>
      %swap3A_18 = arith.constant 0 : index
      %swap3A_19 = arith.constant 0 : index
      %swap3A_20 = vector.load %arg5[%swap3A_18, %swap3A_19] : memref<512x128xf32, #tpu.memory_space<vmem>>, vector<512x128xf32>
      tpu.vector_store %arg5[%swap3A_18, %swap3A_19], %dot_general3A_17 {strides = array<i32>} : memref<512x128xf32, #tpu.memory_space<vmem>>, vector<512x128xf32>,
    } else {
    }
    return
  }
  func.func @transform_0(%arg0: i32) -> (i32, i32) {
    %c0_i32 = arith.constant 0 : i32
    %c0_i32_0 = arith.constant 0 : i32
    return %arg0, %c0_i32 : i32, i32
  }
  func.func @transform_1(%arg0: i32) -> (i32, i32) {
    %c0_i32 = arith.constant 0 : i32
    %c0_i32_0 = arith.constant 0 : i32
    %c0_i32_1 = arith.constant 0 : i32
    return %c0_i32, %c0_i32_0 : i32, i32
  }
  func.func @transform_2(%arg0: i32) -> (i32, i32) {
    %c0_i32 = arith.constant 0 : i32
    %c0_i32_0 = arith.constant 0 : i32
    %c0_i32_1 = arith.constant 0 : i32
    return %c0_i32, %c0_i32_0 : i32, i32
  }
  func.func @transform_3(%arg0: i32) -> (i32, i32) {
    %c0_i32 = arith.constant 0 : i32
    %c0_i32_0 = arith.constant 0 : i32
    return %arg0, %c0_i32 : i32, i32
  }
  func.func @transform_4(%arg0: i32) -> (i32, i32) {
    %c0_i32 = arith.constant 0 : i32
    %c0_i32_0 = arith.constant 0 : i32
    %c0_i32_1 = arith.constant 0 : i32
    return %c0_i32, %c0_i32_0 : i32, i32
  }
}

module attributes {stable_mosaic.version = 14 : i64} {
  func.func @_p4_body(%arg0: i32, %arg1: memref<512x128xf32, #tpu.memory_space<vmem>>, %arg2: memref<1024x128xf32, #tpu.memory_space<vmem>>, %arg3: memref<256x128xf32, #tpu.memory_space<vmem>>, %arg4: memref<1x128xf32, #tpu.memory_space<vmem>>, %arg5: memref<128x256xf32, #tpu.memory_space<vmem>>, %arg6: memref<1x256xf32, #tpu.memory_space<vmem>>, %arg7: memref<256x256xf32, #tpu.memory_space<vmem>>, %arg8: memref<1x256xf32, #tpu.memory_space<vmem>>, %arg9: memref<256x4xf32, #tpu.memory_space<vmem>>, %arg10: memref<1x4xf32, #tpu.memory_space<vmem>>, %arg11: memref<512x4xf32, #tpu.memory_space<vmem>>) attributes {dimension_semantics = [#tpu.dimension_semantics<arbitrary>], iteration_bounds = array<i64: 1>, scalar_prefetch = 0 : i64, scratch_operands = 0 : i64, tpu.core_type = #tpu.core_type<tc>, window_params = [{transform_indices = @transform_0, window_bounds = array<i64: 512, 128>}, {pipeline_mode = #tpu.pipeline_mode<synchronous>, transform_indices = @transform_1, window_bounds = array<i64: 1024, 128>}, {pipeline_mode = #tpu.pipeline_mode<synchronous>, transform_indices = @transform_2, window_bounds = array<i64: 256, 128>}, {pipeline_mode = #tpu.pipeline_mode<synchronous>, transform_indices = @transform_3, window_bounds = array<i64: 1, 128>}, {pipeline_mode = #tpu.pipeline_mode<synchronous>, transform_indices = @transform_4, window_bounds = array<i64: 128, 256>}, {pipeline_mode = #tpu.pipeline_mode<synchronous>, transform_indices = @transform_5, window_bounds = array<i64: 1, 256>}, {pipeline_mode = #tpu.pipeline_mode<synchronous>, transform_indices = @transform_6, window_bounds = array<i64: 256, 256>}, {pipeline_mode = #tpu.pipeline_mode<synchronous>, transform_indices = @transform_7, window_bounds = array<i64: 1, 256>}, {pipeline_mode = #tpu.pipeline_mode<synchronous>, transform_indices = @transform_8, window_bounds = array<i64: 256, 4>}, {pipeline_mode = #tpu.pipeline_mode<synchronous>, transform_indices = @transform_9, window_bounds = array<i64: 1, 4>}, {pipeline_mode = #tpu.pipeline_mode<synchronous>, transform_indices = @transform_10, window_bounds = array<i64: 512, 4>}]} {
    %get3A = arith.constant 0 : index
    %get3A_0 = arith.constant 0 : index
    %get3A_1 = vector.load %arg2[%get3A, %get3A_0] : memref<1024x128xf32, #tpu.memory_space<vmem>>, vector<512x128xf32>
    %get3A_2 = arith.constant 512 : index
    %get3A_3 = arith.constant 0 : index
    %get3A_4 = vector.load %arg2[%get3A_2, %get3A_3] : memref<1024x128xf32, #tpu.memory_space<vmem>>, vector<512x128xf32>
    %add3A = arith.addf %get3A_1, %get3A_4 : vector<512x128xf32>
    %get3A_5 = arith.constant 0 : index
    %get3A_6 = arith.constant 0 : index
    %get3A_7 = vector.load %arg1[%get3A_5, %get3A_6] : memref<512x128xf32, #tpu.memory_space<vmem>>, vector<512x128xf32>
    %get3A_8 = arith.constant 0 : index
    %get3A_9 = arith.constant 0 : index
    %get3A_10 = vector.load %arg3[%get3A_8, %get3A_9] : memref<256x128xf32, #tpu.memory_space<vmem>>, vector<128x128xf32>
    %dot_general3A = arith.constant dense<0.000000e+00> : vector<512x128xf32>
    %dot_general3A_11 = tpu.matmul %get3A_7, %get3A_10, %dot_general3A {dimension_numbers = #tpu.dot_dimension_numbers<[1], [0], [0], [1], [0, 0, 1, 1], [], []>, transpose_lhs_hint = false} : vector<512x128xf32>, vector<128x128xf32>, vector<512x128xf32> -> vector<512x128xf32>
    %get3A_12 = arith.constant 128 : index
    %get3A_13 = arith.constant 0 : index
    %get3A_14 = vector.load %arg3[%get3A_12, %get3A_13] : memref<256x128xf32, #tpu.memory_space<vmem>>, vector<128x128xf32>
    %dot_general3A_15 = arith.constant dense<0.000000e+00> : vector<512x128xf32>
    %dot_general3A_16 = tpu.matmul %add3A, %get3A_14, %dot_general3A_15 {dimension_numbers = #tpu.dot_dimension_numbers<[1], [0], [0], [1], [0, 0, 1, 1], [], []>, transpose_lhs_hint = false} : vector<512x128xf32>, vector<128x128xf32>, vector<512x128xf32> -> vector<512x128xf32>
    %add3A_17 = arith.addf %dot_general3A_11, %dot_general3A_16 : vector<512x128xf32>
    %get3A_18 = arith.constant 0 : index
    %get3A_19 = arith.constant 0 : index
    %get3A_20 = vector.load %arg4[%get3A_18, %get3A_19] : memref<1x128xf32, #tpu.memory_space<vmem>>, vector<1x128xf32>
    %add3A_21 = vector.broadcast %get3A_20 : vector<1x128xf32> to vector<512x128xf32>
    %add3A_22 = arith.addf %add3A_17, %add3A_21 : vector<512x128xf32>
    %max3A = arith.constant 0.000000e+00 : f32
    %max3A_23 = vector.broadcast %max3A : f32 to vector<512x128xf32>
    %max3A_24 = arith.maximumf %add3A_22, %max3A_23 : vector<512x128xf32>
    %get3A_25 = arith.constant 0 : index
    %get3A_26 = arith.constant 0 : index
    %get3A_27 = vector.load %arg5[%get3A_25, %get3A_26] : memref<128x256xf32, #tpu.memory_space<vmem>>, vector<128x256xf32>
    %dot_general3A_28 = arith.constant dense<0.000000e+00> : vector<512x256xf32>
    %dot_general3A_29 = tpu.matmul %max3A_24, %get3A_27, %dot_general3A_28 {dimension_numbers = #tpu.dot_dimension_numbers<[1], [0], [0], [1], [0, 0, 1, 1], [], []>, transpose_lhs_hint = false} : vector<512x128xf32>, vector<128x256xf32>, vector<512x256xf32> -> vector<512x256xf32>
    %get3A_30 = arith.constant 0 : index
    %get3A_31 = arith.constant 0 : index
    %get3A_32 = vector.load %arg6[%get3A_30, %get3A_31] : memref<1x256xf32, #tpu.memory_space<vmem>>, vector<1x256xf32>
    %add3A_33 = vector.broadcast %get3A_32 : vector<1x256xf32> to vector<512x256xf32>
    %add3A_34 = arith.addf %dot_general3A_29, %add3A_33 : vector<512x256xf32>
    %max3A_35 = arith.constant 0.000000e+00 : f32
    %max3A_36 = vector.broadcast %max3A_35 : f32 to vector<512x256xf32>
    %max3A_37 = arith.maximumf %add3A_34, %max3A_36 : vector<512x256xf32>
    %get3A_38 = arith.constant 0 : index
    %get3A_39 = arith.constant 0 : index
    %get3A_40 = vector.load %arg7[%get3A_38, %get3A_39] : memref<256x256xf32, #tpu.memory_space<vmem>>, vector<256x256xf32>
    %dot_general3A_41 = arith.constant dense<0.000000e+00> : vector<512x256xf32>
    %dot_general3A_42 = tpu.matmul %max3A_37, %get3A_40, %dot_general3A_41 {dimension_numbers = #tpu.dot_dimension_numbers<[1], [0], [0], [1], [0, 0, 1, 1], [], []>, transpose_lhs_hint = false} : vector<512x256xf32>, vector<256x256xf32>, vector<512x256xf32> -> vector<512x256xf32>
    %get3A_43 = arith.constant 0 : index
    %get3A_44 = arith.constant 0 : index
    %get3A_45 = vector.load %arg8[%get3A_43, %get3A_44] : memref<1x256xf32, #tpu.memory_space<vmem>>, vector<1x256xf32>
    %add3A_46 = vector.broadcast %get3A_45 : vector<1x256xf32> to vector<512x256xf32>
    %add3A_47 = arith.addf %dot_general3A_42, %add3A_46 : vector<512x256xf32>
    %max3A_48 = arith.constant 0.000000e+00 : f32
    %max3A_49 = vector.broadcast %max3A_48 : f32 to vector<512x256xf32>
    %max3A_50 = arith.maximumf %add3A_47, %max3A_49 : vector<512x256xf32>
    %get3A_51 = arith.constant 0 : index
    %get3A_52 = arith.constant 0 : index
    %get3A_53 = vector.load %arg9[%get3A_51, %get3A_52] : memref<256x4xf32, #tpu.memory_space<vmem>>, vector<256x4xf32>
    %dot_general3A_54 = arith.constant dense<0.000000e+00> : vector<512x4xf32>
    %dot_general3A_55 = tpu.matmul %max3A_50, %get3A_53, %dot_general3A_54 {dimension_numbers = #tpu.dot_dimension_numbers<[1], [0], [0], [1], [0, 0, 1, 1], [], []>, transpose_lhs_hint = false} : vector<512x256xf32>, vector<256x4xf32>, vector<512x4xf32> -> vector<512x4xf32>
    %get3A_56 = arith.constant 0 : index
    %get3A_57 = arith.constant 0 : index
    %get3A_58 = vector.load %arg10[%get3A_56, %get3A_57] : memref<1x4xf32, #tpu.memory_space<vmem>>, vector<1x4xf32>
    %add3A_59 = vector.broadcast %get3A_58 : vector<1x4xf32> to vector<512x4xf32>
    %add3A_60 = arith.addf %dot_general3A_55, %add3A_59 : vector<512x4xf32>
    %tanh3A = math.tanh %add3A_60 : vector<512x4xf32>
    %swap3A = arith.constant 0 : index
    %swap3A_61 = arith.constant 0 : index
    %swap3A_62 = vector.load %arg11[%swap3A, %swap3A_61] : memref<512x4xf32, #tpu.memory_space<vmem>>, vector<512x4xf32>
    tpu.vector_store %arg11[%swap3A, %swap3A_61], %tanh3A {strides = array<i32>} : memref<512x4xf32, #tpu.memory_space<vmem>>, vector<512x4xf32>,
    return
  }
  func.func @transform_0(%arg0: i32) -> (i32, i32) {
    %c0_i32 = arith.constant 0 : i32
    %c0_i32_0 = arith.constant 0 : i32
    %c0_i32_1 = arith.constant 0 : i32
    return %c0_i32, %c0_i32_0 : i32, i32
  }
  func.func @transform_1(%arg0: i32) -> (i32, i32) {
    %c0_i32 = arith.constant 0 : i32
    %c0_i32_0 = arith.constant 0 : i32
    %c0_i32_1 = arith.constant 0 : i32
    return %c0_i32, %c0_i32_0 : i32, i32
  }
  func.func @transform_2(%arg0: i32) -> (i32, i32) {
    %c0_i32 = arith.constant 0 : i32
    %c0_i32_0 = arith.constant 0 : i32
    %c0_i32_1 = arith.constant 0 : i32
    return %c0_i32, %c0_i32_0 : i32, i32
  }
  func.func @transform_3(%arg0: i32) -> (i32, i32) {
    %c0_i32 = arith.constant 0 : i32
    %c0_i32_0 = arith.constant 0 : i32
    %c0_i32_1 = arith.constant 0 : i32
    return %c0_i32, %c0_i32_0 : i32, i32
  }
  func.func @transform_4(%arg0: i32) -> (i32, i32) {
    %c0_i32 = arith.constant 0 : i32
    %c0_i32_0 = arith.constant 0 : i32
    %c0_i32_1 = arith.constant 0 : i32
    return %c0_i32, %c0_i32_0 : i32, i32
  }
  func.func @transform_5(%arg0: i32) -> (i32, i32) {
    %c0_i32 = arith.constant 0 : i32
    %c0_i32_0 = arith.constant 0 : i32
    %c0_i32_1 = arith.constant 0 : i32
    return %c0_i32, %c0_i32_0 : i32, i32
  }
  func.func @transform_6(%arg0: i32) -> (i32, i32) {
    %c0_i32 = arith.constant 0 : i32
    %c0_i32_0 = arith.constant 0 : i32
    %c0_i32_1 = arith.constant 0 : i32
    return %c0_i32, %c0_i32_0 : i32, i32
  }
  func.func @transform_7(%arg0: i32) -> (i32, i32) {
    %c0_i32 = arith.constant 0 : i32
    %c0_i32_0 = arith.constant 0 : i32
    %c0_i32_1 = arith.constant 0 : i32
    return %c0_i32, %c0_i32_0 : i32, i32
  }
  func.func @transform_8(%arg0: i32) -> (i32, i32) {
    %c0_i32 = arith.constant 0 : i32
    %c0_i32_0 = arith.constant 0 : i32
    %c0_i32_1 = arith.constant 0 : i32
    return %c0_i32, %c0_i32_0 : i32, i32
  }
  func.func @transform_9(%arg0: i32) -> (i32, i32) {
    %c0_i32 = arith.constant 0 : i32
    %c0_i32_0 = arith.constant 0 : i32
    %c0_i32_1 = arith.constant 0 : i32
    return %c0_i32, %c0_i32_0 : i32, i32
  }
  func.func @transform_10(%arg0: i32) -> (i32, i32) {
    %c0_i32 = arith.constant 0 : i32
    %c0_i32_0 = arith.constant 0 : i32
    %c0_i32_1 = arith.constant 0 : i32
    return %c0_i32, %c0_i32_0 : i32, i32
  }
}

</mosaic_0001>

<sc_bundles>
// kernel: kernel.5.cloned.1.call-start
scs
__scs_entry_jumppad:
0x0: {  	(pc) =	sbr.rel $0x88, $3  }
0x1: {  	(tag) =	ssettag $0x0;
	lr =	simm.s32 $0x1  }
0x2: {  	[smem:$0x3F93] =	sst lr;
	_ =	strace $0xD0000000  }
0x3: {  	_ = 	snop  }
0x4: {  	_ = 	snop  }
0x5: {  	_ = 	snop  }
0x6: {  	_ = 	snop  }
0x7: {  	_ = 	snop  }
__scs_overlays_trampoline_lowered:
0x8: {  	[smem:$0x3FA2] =	sst s0  }
0x9: {  	[smem:$0x3FA3] =	sst s1  }
0xa: {  	[smem:$0x3FA4] =	sst s2  }
0xb: {  	[smem:$0x3FA5] =	sst s3  }
0xc: {  	[smem:$0x3FA6] =	sst s4  }
0xd: {  	[smem:$0x3FA7] =	sst s5  }
0xe: {  	[smem:$0x3FA8] =	sst s6  }
0xf: {  	[smem:$0x3FA9] =	sst s7  }
0x10: {  	[smem:$0x3FAA] =	sst s8  }
0x11: {  	[smem:$0x3FAB] =	sst s9;
	s0 =	simm.s32 @!p0 $0x0  }
0x12: {  	s1 =	sld [smem:$0x3F91];
	s0 =	simm.s32 @p0 $0x1  }
0x13: {  	[smem:$0x3FAC] =	sst s0;
	s0 =	simm.s32 @!p1 $0x0  }
0x14: {  	s2 =	sld [smem:$0x3F90];
	s0 =	simm.s32 @p1 $0x1  }
0x15: {  	[smem:$0x3FAD] =	sst s0;
	s0 =	simm.s32 @!p2 $0x0  }
0x16: {  	s3 =	sld [smem:$0x3FDB];
	s0 =	simm.s32 @p2 $0x1  }
0x17: {  	s4 =	simm.s32 $0x1BF5;
	[smem:$0x3FAF] =	sst s0  }
0x18: {  	s0 =	sld [smem:$0x3F92];
	_ =	swait.ge [sflag:s4], $0x0  }
0x19: {  	s7 =	sld [smem:$0x3F93]  }
0x1a: {  	s8 =	sadd.s32 $0xFFFFE003, lr  }
0x1b: {  	s9 =	sadd.s32 $0xFFFFFEF7, lr;
	s5 =	simm.s32 $0xFFFFFFFF;
	p2 =	slt.u32 s8, $0xFFFFF086  }
0x1c: {  	p1 =	slt.u32 s9, $0xF7A;
	s5 =	simm.s32 @!p2 $0x0  }
0x1d: {  	s5 =	simm.s32 @p1 $0x1;
	p0 =	seq.s32 s7, s2  }
0x1e: {  	s7 =	smul.u32 @!p0 $0xF7A, s2;
	p2 =	seq.s32 @!p0 s5, $0x0  }
0x1f: {  	s9 =	smul.u32 $0xF7A, s1;
	s8 =	simm.s32 @!p0 $0x1BF5;
	p2 =	por !p2, p0  }
0x20: {  	[sflag:s8] =	ssyncset.s32 @!p0 $0xFFFFF086;
	s6 =	sadd.s32 @!p0 s3, s7;
	s7 =	simm.s32 @!p0 $0x108  }
0x21: {  	s3 =	sadd.s32 s3, s9;
	s6 =	sadd.s32 @!p0 $0x88, s6;
	s7 =	simm.s32 @p2 $0x1082  }
0x22: {  	[simem:s7], [sflag:s8] =	dma.local @!p0 [hbm:s6], $0xF7A  }
0x23: {  	s9 =	sor.u32 $0xD0000000, s2;
	s6 =	simm.s32 $0x108;
	_ =	swait.ge @!p0 [sflag:s8], $0x0  }
0x24: {  	s3 =	sadd.s32 $0x88, s3;
	s6 =	simm.s32 @!p1 $0x1082;
	[sflag:s4] =	ssyncset.s32 $0xFFFFF086  }
0x25: {  	[simem:s6], [sflag:s4] =	dma.local [hbm:s3], $0xF7A  }
0x26: {  	[smem:$0x3F93] =	sst s1;
	(tag) =	ssettag s2;
	_ =	strace s9  }
0x27: {  	s1 =	sld [smem:$0x3FA3]  }
0x28: {  	s2 =	sld [smem:$0x3FA4]  }
0x29: {  	s4 =	sld [smem:$0x3FA6]  }
0x2a: {  	p0 =	seq.s32 s5, $0x0;
	s5 =	sld [smem:$0x3FA7]  }
0x2b: {  	s6 =	sld [smem:$0x3FA8]  }
0x2c: {  	s7 =	sld [smem:$0x3FA9]  }
0x2d: {  	s3 =	simm.s32 $0x108;
	s8 =	sld [smem:$0x3FAA]  }
0x2e: {  	s3 =	simm.s32 @!p0 $0x1082;
	s9 =	sld [smem:$0x3FAB]  }
0x2f: {  	lr =	sadd.s32 s0, s3;
	s0 =	sld [smem:$0x3FA2]  }
0x30: {  	s3 =	sld [smem:$0x3FA5]  }
0x31: {  	[smem:$0x3FAE] =	sst s10  }
0x32: {  	s10 =	sld [smem:$0x3FAC];
	_ =	sdelay $0x3  }
0x33: {  	p0 =	seq.s32 s10, $0x1;
	s10 =	sld [smem:$0x3FAE];
	_ =	sdelay $0x3  }
0x34: {  	[smem:$0x3FAE] =	sst s10  }
0x35: {  	s10 =	sld [smem:$0x3FAD];
	_ =	sdelay $0x3  }
0x36: {  	p1 =	seq.s32 s10, $0x1;
	s10 =	sld [smem:$0x3FAE];
	_ =	sdelay $0x3  }
0x37: {  	[smem:$0x3FAE] =	sst s10  }
0x38: {  	s10 =	sld [smem:$0x3FAF]  }
0x39: {  	_ = 	snop;
	(pc) =	sbr.ind lr, $3  }
0x3a: {  	_ = 	snop  }
0x3b: {  	_ = 	snop  }
0x3c: {  	p2 =	seq.s32 s10, $0x1;
	s10 =	sld [smem:$0x3FAE]  }
0x3d: {  	_ =	shalt  }
0x3e: {  	_ =	shalt  }
0x3f: {  	_ =	shalt  }
0x40: {  	_ =	shalt  }
0x41: {  	_ =	shalt  }
0x42: {  	_ =	shalt  }
0x43: {  	_ =	shalt  }
0x44: {  	_ =	shalt  }
0x45: {  	_ =	shalt  }
0x46: {  	_ =	shalt  }
0x47: {  	_ =	shalt  }
0x48: {  	_ =	shalt  }
0x49: {  	_ =	shalt  }
0x4a: {  	_ =	shalt  }
0x4b: {  	_ =	shalt  }
0x4c: {  	_ =	shalt  }
0x4d: {  	_ =	shalt  }
0x4e: {  	_ =	shalt  }
0x4f: {  	_ =	shalt  }
0x50: {  	_ =	shalt  }
0x51: {  	_ =	shalt  }
0x52: {  	_ =	shalt  }
0x53: {  	_ =	shalt  }
0x54: {  	_ =	shalt  }
0x55: {  	_ =	shalt  }
0x56: {  	_ =	shalt  }
0x57: {  	_ =	shalt  }
0x58: {  	_ =	shalt  }
0x59: {  	_ =	shalt  }
0x5a: {  	_ =	shalt  }
0x5b: {  	_ =	shalt  }
0x5c: {  	_ =	shalt  }
0x5d: {  	_ =	shalt  }
0x5e: {  	_ =	shalt  }
0x5f: {  	_ =	shalt  }
0x60: {  	_ =	shalt  }
0x61: {  	_ =	shalt  }
0x62: {  	_ =	shalt  }
0x63: {  	_ =	shalt  }
0x64: {  	_ =	shalt  }
0x65: {  	_ =	shalt  }
0x66: {  	_ =	shalt  }
0x67: {  	_ =	shalt  }
0x68: {  	_ =	shalt  }
0x69: {  	_ =	shalt  }
0x6a: {  	_ =	shalt  }
0x6b: {  	_ =	shalt  }
0x6c: {  	_ =	shalt  }
0x6d: {  	_ =	shalt  }
0x6e: {  	_ =	shalt  }
0x6f: {  	_ =	shalt  }
0x70: {  	_ =	shalt  }
0x71: {  	_ =	shalt  }
0x72: {  	_ =	shalt  }
0x73: {  	_ =	shalt  }
0x74: {  	_ =	shalt  }
0x75: {  	_ =	shalt  }
0x76: {  	_ =	shalt  }
0x77: {  	_ =	shalt  }
0x78: {  	_ =	shalt  }
0x79: {  	_ =	shalt  }
0x7a: {  	_ =	shalt  }
0x7b: {  	_ =	shalt  }
0x7c: {  	_ =	shalt  }
0x7d: {  	_ =	shalt  }
0x7e: {  	_ =	shalt  }
0x7f: {  	_ =	shalt  }
0x80: {  	_ =	shalt  }
0x81: {  	_ =	shalt  }
0x82: {  	_ =	shalt  }
0x83: {  	_ =	shalt  }
0x84: {  	_ =	shalt  }
0x85: {  	_ =	shalt  }
0x86: {  	_ =	shalt  }
0x87: {  	_ =	shalt  }
.Lfunc_end0:
.L_simem_size_0:
called_computation_lowered:
.L_overlay_start_0:
0x88: {  	s2 =	sld [smem:$0x3FD9]  }
0x89: {  	s3 =	sld [smem:$0x3FFE];
	_ =	sdelay $0x1  }
0x8a: {  	s1 =	srdreg.scid  }
0x8b: {  	s0 =	sand.u32 $0x1, s1  }
0x8c: {  	s16 =	sshll.u32 s0, $0xA;
	s2 =	sadd.s32 s3, s2  }
0x8d: {  	s2 =	sadd.s32 s2, s16  }
0x8e: {  	[smem:$0x3FBA] =	sst s2  }
0x8f: {  	_ = 	snop  }
0x90: {  	(tm) =	ssettm $0x1  }
0x91: {  	s17 =	sld [smem:$0x3FFB];
	_ =	sdelay $0x3  }
0x92: {  	_ =	strace s17  }
0x93: {  	s2 =	sld [smem:$0x3FFC];
	_ =	sdelay $0x3  }
0x94: {  	_ =	strace s2  }
0x95: {  	s2 =	sld [smem:$0x3FFD];
	_ =	sdelay $0x3  }
0x96: {  	_ =	strace s2  }
0x97: {  	_ =	strace $0x8FFFFFFF  }
0x98: {  	s18 =	sld [smem:$0x3FDB];
	_ =	sdelay $0x1  }
0x99: {  	s19 =	simm.s32 $_scs_section_size  }
0x9a: {  	s4 =	simm.s32 $_size__tile_overlayer_lowered;
	s5 =	simm.s32 $_tile_overlayer_lowered  }
0x9b: {  	s22 =	simm.s32 $0x1BFF;
	s21 =	sshll.u32 s5, $0x1;
	s2 =	sadd.s32 s19, s18  }
0x9c: {  	s6 =	simm.s32 $0x0;
	s20 =	sshll.u32 s4, $0x1;
	s4 =	sadd.s32 s21, s2  }
0x9d: {  	[timem:s6], [sflag:s22] =	dma.local [hbm:s4], s20  }
0x9e: {  	_ =	swait.ge [sflag:s22], s20  }
0x9f: {  	s3 =	ssub.s32 $0x0, s20;
	[sflag:s22] =	ssyncset.done $0x0  }
0xa0: {  	[sflag:s22] =	ssyncadd.s32 s3;
	_ =	sdelay $0x1  }
0xa1: {  	s23 =	simm.s32 $0x1B8B  }
0xa2: {  	_ =	swait.ge [sflag:s23], $0x1  }
0xa3: {  	[sflag:s23] =	ssyncset.done $0x0  }
0xa4: {  	s25 =	simm.s32 $0x1B8E;
	s24 =	sld [smem:$0x3FFE];
	[sflag:s23] =	ssyncadd.s32 $0xFFFFFFFF  }
0xa5: {  	s26 =	simm.s32 $execute0_lowered;
	[smem:$0x3FD2] =	sst s25  }
0xa6: {  	s4 =	sshll.u32 s26, $0x1;
	_ =	strace $0x80000046;
	[dreg:$0x1] =	wrdreg $0xFFFFFFFF  }
0xa7: {  	s28 =	simm.s32 $_size_execute0_lowered;
	s2 =	sadd.s32 s2, s4;
	[dreg:$0x0] =	wrdreg $0x0  }
0xa8: {  	s4 =	sshll.u32 s28, $0x1;
	[dreg:$0x2] =	wrdreg s2  }
0xa9: {  	[dreg:$0x3] =	wrdreg s4  }
0xaa: {  	[dreg:$0x4] =	wrdreg $0xC0  }
0xab: {  	_ =	task [dreg:s6], $0x5FFFF  }
0xac: {  	[dreg:$0x1] =	wrdreg $0xFFFFFFFF  }
0xad: {  	[dreg:$0x0] =	wrdreg $0x60  }
0xae: {  	[dreg:$0x2] =	wrdreg s24  }
0xaf: {  	[dreg:$0x3] =	wrdreg $0xC2000  }
0xb0: {  	[dreg:$0x4] =	wrdreg $0x9  }
0xb1: {  	_ =	task.clear_ibuf [dreg:s6], $0x5FFFF;
	_ =	strace $0x90000046  }
0xb2: {  	s29 =	simm.s32 $0x9;
	_ =	strace $0x80000048  }
0xb3: {  	_ =	swait.ge [sflag:s29], $0x1  }
0xb4: {  	[sflag:s29] =	ssyncadd.s32 $0xFFFFFFFF  }
0xb5: {  	_ =	strace $0x90000048  }
0xb6: {  	_ =	sfence  }
0xb7: {  	s30 =	sld [smem:$0x0];
	_ =	sdelay $0x2  }
0xb8: {  	s31 =	sshll.u32 s1, $0xD;
	s1 =	sshrl.u32 s1, $0x2  }
0xb9: {  	s3 =	sand.u32 $0x4000, s31;
	s1 =	sadd.s32 s1, s30  }
0xba: {  	s0 =	sor.u32 s3, s0;
	s1 =	sshll.u32 s1, $0x11  }
0xbb: {  	s0 =	sor.u32 s1, s0  }
0xbc: {  	s0 =	sadd.s32 $0x8F2B, s0  }
0xbd: {  	[sflag:s0] =	ssyncadd.remote.s32 $0x1  }
0xbe: {  	_ =	sfence.sel $0xFFFF  }
0xbf: {  	[dreg:$0x0] =	wrdreg $0xFFFFFFFF;
	(pc) =	sbr.abs _section_cstart, $3  }
0xc0: {  	[dreg:$0x1] =	wrdreg $0xFFFFFFFF  }
0xc1: {  	_ =	task.clear_ibuf [dreg:s6], $0x2FFFF;
	_ =	strace $0x9FFFFFFF  }
0xc2: {  	(tm) =	ssettm $0x7FFFFFFF  }
0xc3: {  	_ =	shalt  }
tec
execute0_lowered:
.L_overlay_start_1:
0x0: {  	(tag) =	ssettag $0x1  }
0x1: {  	s0 =	rddreg [dreg:$0x0]  }
0x2: {  	s1 =	rddreg [dreg:$0x1];
	s2 =	simm.s32 $0x0;
	s28 =	srdreg.scid  }
0x3: {  	s11 =	stileid.u32;
	s15 =	simm.s32 $0x6;
	s16 =	simm.s32 $0x180  }
0x4: {  	s17 =	simm.s32 $0x1;
	s18 =	simm.s32 $0x8180;
	s19 =	simm.s32 $0x80  }
0x5: {  	s20 =	simm.s32 $0x4;
	s21 =	simm.s32 $0x5;
	s22 =	simm.s32 $0x100  }
0x6: {  	s23 =	simm.s32 $0x4180;
	s24 =	simm.s32 $0x2;
	s25 =	simm.s32 $0x3  }
0x7: {  	s26 =	simm.s32 $0x0;
	s31 =	simm.s32 $0x0;
	[smem:$0x7FF] =	sst s2  }
0x8: {  	s3 =	sadd.s32 $0x19E00, s0;
	s5 =	sadd.s32 $0x41000, s0;
	s6 =	sadd.s32 $0x4FBE00, s0  }
0x9: {  	s2 =	sand.u32 $0x1, s28;
	s7 =	sadd.s32 $0x10000, s0;
	s8 =	sadd.s32 $0x5E00, s0  }
0xa: {  	s9 =	sshll.u32 s11, $0x9;
	s12 =	sadd.s32 $0xFC00, s0;
	s29 =	sshll.u32 s11, $0x1  }
.Ltmp0:
0xb: {  	s11 =	sshll.u32 s11, $0xC;
	_ =	strace $0x80000047;
	(pc) =	sbr.rel .LBB2_1-.Ltmp0, $4  }
0xc: {  	s4 =	ssub.s32 $0x2, s2;
	[dreg:$0x3] =	wrdreg s12;
	s0 =	sadd.s32 s9, s0  }
0xd: {  	s30 =	sshll.u32 s2, $0xD;
	s2 =	sor.u32 s2, s29;
	s10 =	sshrl.u32 s4, $0x1  }
0xe: {  	s11 =	sadd.s32 s11, s1;
	s0 =	sadd.s32 s30, s0;
	s4 =	ssub.s32 s4, s10  }
0xf: {  	v0 =	vimm.f32 $0.0e+00;
	v1 =	vlaneseq.u32;
	[dreg:$0x4] =	wrdreg s2;
	s12 =	sadd.s32 $0x43000, s0;
	s13 =	smax.u32 s4, $0x1  }
.LBB2_8:
0x10: {  	s0 =	stileid.u32;
	s26 =	sadd.s32 $0x1, s26  }
0x11: {  	[bflag:$0x0] =	sbarrier.arrive $0xFFFF;
	s0 =	sshll.u32 s0, $0x6;
	p0 =	sne.s32 s26, s13  }
.Ltmp1:
0x12: {  	s2 =	sshrl.u32 s11, $0x3;
	s0 =	sor.u32 $0x1C06, s0;
	(pc) =	sbr.rel @!p0 .LBB2_9-.Ltmp1, $4  }
0x13: {  	[hbm:s12], [sflag:s0] =	dma.local [spmem:s2], $0x200  }
0x14: {  	_ =	swait.ge [sflag:s15], $0x200  }
0x15: {  	[sflag:s15] =	ssyncset.done $0x0  }
0x16: {  	[sflag:s15] =	ssyncadd.s32 $0xFFFFFE00  }
.LBB2_1:
0x17: {  	s0 =	simm.s32 $0x0;
	s2 =	rddreg [dreg:$0x3];
	s4 =	simm.s32 $0xC180  }
0x18: {  	[tilespmem:s4], [sflag:$0x6] =	stream.linear.gather [hbm4b:s2+s0], $0x80, $0x38;
	[tilespmem:$0xD200] =	vst v63  }
0x19: {  	_ =	swait.ge [sflag:s15], $0x80  }
0x1a: {  	[sflag:s15] =	ssyncset.done $0x0  }
0x1b: {  	[sflag:s15] =	ssyncadd.s32 $0xFFFFFF80  }
0x1c: {  	s0 =	simm.s32 $0x0;
	s2 =	simm.s32 $0x200;
	v2 =	vld [tilespmem:$0xC180]  }
.LBB2_2:
0x1d: {  	p0 =	sne.s32 s2, $0x3E00;
	[tilespmem:s0+$0x1F0] =	vst v0  }
0x1e: {  	[tilespmem:s0+$0x180] =	vst v0  }
0x1f: {  	[tilespmem:s0+$0x190] =	vst v0  }
.Ltmp2:
0x20: {  	[tilespmem:s0+$0x1A0] =	vst v0;
	(pc) =	sbr.rel @p0 .LBB2_2-.Ltmp2, $4  }
0x21: {  	[tilespmem:s0+$0x1B0] =	vst v0  }
0x22: {  	[tilespmem:s0+$0x1C0] =	vst v0  }
0x23: {  	[tilespmem:s0+$0x1D0] =	vst v0  }
0x24: {  	[tilespmem:s0+$0x1E0] =	vst v0;
	s0 =	sshra.s32 s2, $0x2;
	s2 =	sadd.s32 $0x200, s2  }
0x25: {  	(v2sf) =	vpush v2, $0x0;
	_ =	sdelay $0xe  }
0x26: {  	s28 =	spop (v2sf)  }
0x27: {  	s2 =	sadd.s32 $0x1F, s28  }
0x28: {  	s4 =	sand.u32 $0x1F, s2  }
0x29: {  	s9 =	sshra.s32 s2, $0x1F;
	p0 =	slt.s32 s2, $0x1;
	p1 =	sne.s32 s4, $0x0  }
0x2a: {  	s14 =	sshrl.u32 s9, $0x1B;
	p0 =	por !p0, !p1  }
0x2b: {  	s4 =	simm.s32 $0x1;
	s2 =	sadd.s32 s14, s2;
	p0 =	por !p0, !p0  }
0x2c: {  	s2 =	sshra.s32 s2, $0x5;
	s4 =	simm.s32 @!p0 $0x0  }
0x2d: {  	s2 =	ssub.s32 s2, s4  }
0x2e: {  	s4 =	sadd.s32 $0x7, s2  }
0x2f: {  	[tilespmem:s0+$0x1F0] =	vst v0;
	s29 =	sand.u32 $0x7, s4  }
0x30: {  	[tilespmem:s0+$0x180] =	vst v0;
	p3 =	slt.s32 s2, $0xFFFFFFFA;
	p4 =	sne.s32 s29, $0x0  }
0x31: {  	[tilespmem:s0+$0x190] =	vst v0;
	s9 =	sshrl.u32 s4, $0x1D;
	p0 =	por !p3, !p4  }
0x32: {  	[tilespmem:s0+$0x1A0] =	vst v0;
	s2 =	sadd.s32 s9, s4;
	s4 =	simm.s32 $0x1;
	p0 =	por !p0, !p0  }
0x33: {  	[tilespmem:s0+$0x1B0] =	vst v0;
	s2 =	sshrl.u32 s2, $0x3;
	s4 =	simm.s32 @!p0 $0x0  }
0x34: {  	[tilespmem:s0+$0x1C0] =	vst v0;
	s2 =	ssub.s32 s2, s4  }
0x35: {  	[tilespmem:s0+$0x1D0] =	vst v0;
	s10 =	rddreg [dreg:$0x4];
	s2 =	sshll.u32 s2, $0x3  }
0x36: {  	[tilespmem:s0+$0x1E0] =	vst v0;
	s4 =	smul.u32 s10, s2  }
0x37: {  	[spmem:s11] =	stream.linear.scatter [tilespmem:s16], [sflag:$0x6], $0x1000, $0x38;
	[tilespmem:$0xD200] =	vst v63  }
0x38: {  	s0 =	sadd.s32 s2, s4  }
0x39: {  	p0 =	slt.s32 s0, s28  }
0x3a: {  	s28 =	smov.u32 @p0 s0  }
0x3b: {  	s0 =	ssub.s32 s28, s4  }
0x3c: {  	p0 =	sgt.s32 s0, $0x0  }
0x3d: {  	s0 =	simm.s32 @!p0 $0x0  }
0x3e: {  	s0 =	sadd.s32 $0x7F, s0  }
0x3f: {  	s14 =	sand.u32 $0x7F, s0  }
0x40: {  	s29 =	sshra.s32 s0, $0x1F;
	p6 =	slt.s32 s0, $0x0;
	p5 =	sne.s32 s14, $0x0  }
0x41: {  	s2 =	sshrl.u32 s29, $0x19;
	p0 =	por !p6, !p5  }
0x42: {  	s0 =	sadd.s32 s2, s0;
	s2 =	simm.s32 $0x1;
	p0 =	por !p0, !p0  }
0x43: {  	s0 =	sshra.s32 s0, $0x7;
	s2 =	simm.s32 @!p0 $0x0  }
0x44: {  	s30 =	ssub.s32 s0, s2  }
0x45: {  	p0 =	slt.s32 s30, $0x1  }
.Ltmp3:
0x46: {  	_ =	swait.ge [sflag:s15], $0x1000;
	(pc) =	sbr.rel @p0 .LBB2_8-.Ltmp3, $3  }
0x47: {  	[sflag:s15] =	ssyncset.done $0x0  }
0x48: {  	[sflag:s15] =	ssyncadd.s32 $0xFFFFF000  }
0x49: {  	[bflag:$0x0] =	sbarrier.arrive $0xFFFF;
	_ =	sdelay $0x1  }
0x4a: {  	v2 =	vmov s28;
	s0 =	smov.u32 s4;
	s2 =	simm.s32 $0x0  }
.LBB2_5:
0x4b: {  	s9 =	sshll.u32 s2, $0x7  }
0x4c: {  	s9 =	sadd.s32 s4, s9  }
0x4d: {  	s14 =	sshll.u32 s9, $0x4  }
0x4e: {  	s10 =	sshrl.u32 s9, $0x3;
	s14 =	sadd.s32 s6, s14  }
0x4f: {  	[tilespmem:s18], [sflag:$0x3] =	stream.linear.gather [hbm4b:s14+s31], $0x4000, $0x38;
	[tilespmem:$0xD200] =	vst v63  }
0x50: {  	s29 =	sadd.s32 s7, s10  }
0x51: {  	[tilespmem:s31], [sflag:$0x4] =	stream.linear.gather [hbm4b:s29+s31], $0x80, $0x38;
	[tilespmem:$0xD200] =	vst v63  }
0x52: {  	s14 =	sadd.s32 s8, s10  }
0x53: {  	[tilespmem:s19], [sflag:$0x5] =	stream.linear.gather [hbm4b:s14+s31], $0x80, $0x38;
	[tilespmem:$0xD200] =	vst v63  }
0x54: {  	_ =	swait.ge [sflag:s20], $0x80  }
0x55: {  	[sflag:s20] =	ssyncset.done $0x0  }
0x56: {  	[sflag:s20] =	ssyncadd.s32 $0xFFFFFF80  }
0x57: {  	_ =	swait.ge [sflag:s21], $0x80  }
0x58: {  	[sflag:s21] =	ssyncset.done $0x0  }
0x59: {  	[sflag:s21] =	ssyncadd.s32 $0xFFFFFF80  }
0x5a: {  	v3 =	vld [tilespmem:$0x80]  }
0x5b: {  	v4 =	vld [tilespmem:$0x90]  }
0x5c: {  	v5 =	vld [tilespmem:$0xA0]  }
0x5d: {  	v6 =	vadd.s32 s9, v1;
	s10 =	sadd.s32 $0x10, s9;
	v7 =	vld [tilespmem:$0xB0]  }
0x5e: {  	vm0 =	vlt.s32 v6, v2;
	v6 =	vadd.s32 s10, v1;
	s10 =	sadd.s32 $0x20, s9;
	v8 =	vld [tilespmem:$0xC0]  }
0x5f: {  	vm9 =	vlt.s32 v6, v2;
	v6 =	vadd.s32 s10, v1;
	s10 =	sadd.s32 $0x30, s9;
	v9 =	vld [tilespmem:$0xD0];
	v3 =	vnsel vm0, $0x0, v3  }
0x60: {  	vm10 =	vlt.s32 v6, v2;
	v6 =	vld [tilespmem:$0xE0];
	[tilespmem:$0x100] =	vst v3;
	v3 =	vnsel vm9, $0x0, v4;
	v4 =	vadd.s32 s10, v1;
	s10 =	sadd.s32 $0x40, s9  }
0x61: {  	[tilespmem:$0x110] =	vst v3;
	v3 =	vnsel vm10, $0x0, v5;
	vm11 =	vlt.s32 v4, v2;
	v4 =	vadd.s32 s10, v1;
	s10 =	sadd.s32 $0x50, s9;
	v5 =	vld [tilespmem:$0xF0]  }
0x62: {  	[tilespmem:$0x120] =	vst v3;
	v3 =	vnsel vm11, $0x0, v7;
	vm12 =	vlt.s32 v4, v2;
	v4 =	vadd.s32 s10, v1;
	s10 =	sadd.s32 $0x60, s9  }
0x63: {  	s9 =	sadd.s32 $0x70, s9;
	[tilespmem:$0x130] =	vst v3;
	v3 =	vnsel vm12, $0x0, v8;
	vm13 =	vlt.s32 v4, v2;
	v4 =	vadd.s32 s10, v1  }
0x64: {  	[tilespmem:$0x140] =	vst v3;
	v3 =	vnsel vm13, $0x0, v9;
	vm14 =	vlt.s32 v4, v2;
	v4 =	vadd.s32 s9, v1  }
0x65: {  	[tilespmem:$0x150] =	vst v3;
	v3 =	vnsel vm14, $0x0, v6;
	vm15 =	vlt.s32 v4, v2  }
0x66: {  	[tilespmem:$0x160] =	vst v3;
	v3 =	vnsel vm15, $0x0, v5  }
0x67: {  	[tilespmem:$0x170] =	vst v3  }
0x68: {  	[tilespmem:s16], [sflag:$0x1] =	stream.indirect.gather [hbm4b:s3+s19], $0x80, s31, s19, $0xb8;
	[tilespmem:$0xD200] =	vst v63  }
0x69: {  	_ = 	snop  }
0x6a: {  	[tilespmem:s23], [sflag:$0x2] =	stream.indirect.gather [hbm4b:s5+s19], $0x80, s22, s19, $0xb8;
	[tilespmem:$0xD200] =	vst v63  }
0x6b: {  	_ =	swait.ge [sflag:s17], $0x4000  }
0x6c: {  	[sflag:s17] =	ssyncset.done $0x0  }
0x6d: {  	[sflag:s17] =	ssyncadd.s32 $0xFFFFC000  }
0x6e: {  	_ =	swait.ge [sflag:s24], $0x4000  }
0x6f: {  	[sflag:s24] =	ssyncset.done $0x0  }
0x70: {  	[sflag:s24] =	ssyncadd.s32 $0xFFFFC000  }
0x71: {  	_ =	swait.ge [sflag:s25], $0x4000  }
0x72: {  	[sflag:s25] =	ssyncset.done $0x0  }
0x73: {  	s10 =	simm.s32 $0x0;
	[sflag:s25] =	ssyncadd.s32 $0xFFFFC000  }
0x74: {  	v3 =	vld [tilespmem:s10+$0x8180]  }
0x75: {  	v4 =	vld [tilespmem:s10+$0x8190]  }
0x76: {  	v5 =	vld [tilespmem:s10+$0x81A0]  }
0x77: {  	v7 =	vld [tilespmem:s10+$0x81B0]  }
0x78: {  	v8 =	vld [tilespmem:s10+$0x81C0]  }
0x79: {  	v9 =	vld [tilespmem:s10+$0x81D0]  }
0x7a: {  	v6 =	vld [tilespmem:s10+$0x4180]  }
0x7b: {  	v10 =	vld [tilespmem:s10+$0x4190]  }
0x7c: {  	v11 =	vld [tilespmem:s10+$0x41A0]  }
0x7d: {  	v12 =	vld [tilespmem:s10+$0x41B0]  }
0x7e: {  	v13 =	vld [tilespmem:s10+$0x41C0]  }
0x7f: {  	v14 =	vld [tilespmem:s10+$0x41D0]  }
0x80: {  	v15 =	vld [tilespmem:s10+$0x180]  }
0x81: {  	v16 =	vld [tilespmem:s10+$0x190]  }
0x82: {  	v17 =	vld [tilespmem:s10+$0x41E0]  }
0x83: {  	v18 =	vld [tilespmem:s10+$0x1A0]  }
0x84: {  	v19 =	vld [tilespmem:s10+$0x41F0]  }
0x85: {  	v20 =	vld [tilespmem:s10+$0x1C0]  }
0x86: {  	v6 =	vadd.f32 v6, v15;
	v15 =	vld [tilespmem:s10+$0x1B0]  }
0x87: {  	v21 =	vld [tilespmem:s10+$0x1E0];
	v10 =	vadd.f32 v10, v16  }
0x88: {  	s14 =	simm.s32 $0x80;
	v16 =	vld [tilespmem:s10+$0x1D0];
	v3 =	vadd.f32 v3, v6;
	v6 =	vadd.f32 v11, v18  }
0x89: {  	v22 =	vld [tilespmem:s14+$0x8190];
	v4 =	vadd.f32 v4, v10  }
0x8a: {  	p0 =	slt.s32 s0, s28;
	v18 =	vld [tilespmem:s14+$0x8180];
	v3 =	vmax.f32 v3, $0.0e+00;
	v5 =	vadd.f32 v5, v6  }
0x8b: {  	v11 =	vld [tilespmem:s10+$0x1F0];
	v4 =	vmax.f32 v4, $0.0e+00;
	v3 =	vpsel !p0, $0x0, v3;
	v10 =	vadd.f32 v12, v15  }
0x8c: {  	v12 =	vld [tilespmem:s10+$0x81E0];
	[tilespmem:s10+$0x180] =	vst v3;
	v3 =	vpsel !p0, $0x0, v4;
	v4 =	vadd.f32 v13, v20  }
0x8d: {  	v5 =	vmax.f32 v5, $0.0e+00;
	v13 =	vadd.f32 v14, v16;
	v7 =	vadd.f32 v7, v10;
	v10 =	vld [tilespmem:s10+$0x81F0]  }
0x8e: {  	v5 =	vpsel !p0, $0x0, v5;
	v8 =	vadd.f32 v8, v4  }
0x8f: {  	v6 =	vld [tilespmem:s14+$0x81A0];
	[tilespmem:s10+$0x190] =	vst v3;
	v9 =	vadd.f32 v9, v13;
	v4 =	vmax.f32 v7, $0.0e+00;
	v7 =	vadd.f32 v17, v21  }
0x90: {  	v11 =	vadd.f32 v19, v11;
	v3 =	vld [tilespmem:s14+$0x81B0];
	[tilespmem:s10+$0x1A0] =	vst v5;
	v5 =	vpsel !p0, $0x0, v4;
	v8 =	vmax.f32 v8, $0.0e+00  }
0x91: {  	v4 =	vld [tilespmem:s14+$0x81C0];
	v9 =	vmax.f32 v9, $0.0e+00;
	[tilespmem:s10+$0x1B0] =	vst v5;
	v8 =	vpsel !p0, $0x0, v8;
	v7 =	vadd.f32 v12, v7  }
0x92: {  	v5 =	vld [tilespmem:s14+$0x81D0];
	[tilespmem:s10+$0x1C0] =	vst v8;
	v8 =	vpsel !p0, $0x0, v9;
	v9 =	vadd.f32 v10, v11  }
0x93: {  	v7 =	vmax.f32 v7, $0.0e+00  }
0x94: {  	v12 =	vld [tilespmem:s14+$0x4180];
	[tilespmem:s10+$0x1D0] =	vst v8;
	v7 =	vpsel !p0, $0x0, v7;
	v8 =	vmax.f32 v9, $0.0e+00  }
0x95: {  	v13 =	vld [tilespmem:s14+$0x4190];
	[tilespmem:s10+$0x1E0] =	vst v7;
	v7 =	vpsel !p0, $0x0, v8  }
0x96: {  	v17 =	vld [tilespmem:s14+$0x41A0];
	[tilespmem:s10+$0x1F0] =	vst v7  }
0x97: {  	v11 =	vld [tilespmem:s14+$0x41B0]  }
0x98: {  	v10 =	vld [tilespmem:s14+$0x41C0]  }
0x99: {  	v9 =	vld [tilespmem:s14+$0x41D0]  }
0x9a: {  	v14 =	vld [tilespmem:s14+$0x180]  }
0x9b: {  	v16 =	vld [tilespmem:s14+$0x190]  }
0x9c: {  	v8 =	vld [tilespmem:s14+$0x41E0]  }
0x9d: {  	v19 =	vld [tilespmem:s14+$0x1A0]  }
0x9e: {  	v7 =	vld [tilespmem:s14+$0x41F0]  }
0x9f: {  	v15 =	vld [tilespmem:s14+$0x1B0];
	v12 =	vadd.f32 v12, v14  }
0xa0: {  	v16 =	vadd.f32 v13, v16;
	v14 =	vld [tilespmem:s14+$0x1C0]  }
0xa1: {  	v13 =	vld [tilespmem:s14+$0x1D0];
	v18 =	vadd.f32 v18, v12  }
0xa2: {  	s29 =	smov.u32 s0;
	s9 =	simm.s32 $0x400;
	v17 =	vadd.f32 v17, v19;
	v16 =	vadd.f32 v22, v16;
	v12 =	vld [tilespmem:s14+$0x1E0]  }
.LBB2_6:
0xa3: {  	p0 =	sne.s32 s9, $0xFE00;
	v18 =	vmax.f32 v18, $0.0e+00;
	v19 =	vld [tilespmem:s14+$0x1F0];
	s29 =	sadd.s32 $0x1, s29  }
0xa4: {  	p1 =	slt.s32 s29, s28;
	v16 =	vmax.f32 v16, $0.0e+00;
	v6 =	vadd.f32 v6, v17;
	v11 =	vadd.f32 v11, v15;
	v15 =	vld [tilespmem:s14+$0x81E0]  }
0xa5: {  	s10 =	sshra.s32 s9, $0x2;
	v17 =	vpsel !p1, $0x0, v18;
	v16 =	vpsel !p1, $0x0, v16;
	v10 =	vadd.f32 v10, v14;
	v14 =	vld [tilespmem:s14+$0x81F0]  }
0xa6: {  	v18 =	vld [tilespmem:s10+$0x8180];
	v6 =	vmax.f32 v6, $0.0e+00;
	v3 =	vadd.f32 v3, v11;
	v9 =	vadd.f32 v9, v13  }
0xa7: {  	v20 =	vld [tilespmem:s10+$0x8190];
	[tilespmem:s14+$0x180] =	vst v17;
	v11 =	vpsel !p1, $0x0, v6;
	v4 =	vadd.f32 v4, v10;
	v8 =	vadd.f32 v8, v12  }
0xa8: {  	v6 =	vld [tilespmem:s10+$0x81A0];
	[tilespmem:s14+$0x190] =	vst v16;
	v10 =	vmax.f32 v3, $0.0e+00;
	v5 =	vadd.f32 v5, v9;
	v7 =	vadd.f32 v7, v19  }
0xa9: {  	v3 =	vld [tilespmem:s10+$0x81B0];
	[tilespmem:s14+$0x1A0] =	vst v11;
	v9 =	vpsel !p1, $0x0, v10;
	v10 =	vmax.f32 v4, $0.0e+00;
	v8 =	vadd.f32 v15, v8  }
0xaa: {  	v4 =	vld [tilespmem:s10+$0x81C0];
	[tilespmem:s14+$0x1B0] =	vst v9;
	v9 =	vpsel !p1, $0x0, v10;
	v10 =	vmax.f32 v5, $0.0e+00;
	v7 =	vadd.f32 v14, v7  }
0xab: {  	v5 =	vld [tilespmem:s10+$0x81D0];
	[tilespmem:s14+$0x1C0] =	vst v9;
	v9 =	vpsel !p1, $0x0, v10;
	v8 =	vmax.f32 v8, $0.0e+00  }
0xac: {  	v12 =	vld [tilespmem:s10+$0x4180];
	[tilespmem:s14+$0x1D0] =	vst v9;
	v8 =	vpsel !p1, $0x0, v8;
	v7 =	vmax.f32 v7, $0.0e+00  }
0xad: {  	v13 =	vld [tilespmem:s10+$0x4190];
	[tilespmem:s14+$0x1E0] =	vst v8;
	v7 =	vpsel !p1, $0x0, v7  }
0xae: {  	v17 =	vld [tilespmem:s10+$0x41A0];
	[tilespmem:s14+$0x1F0] =	vst v7;
	s14 =	smov.u32 s10  }
0xaf: {  	v11 =	vld [tilespmem:s14+$0x41B0]  }
0xb0: {  	v10 =	vld [tilespmem:s14+$0x41C0]  }
0xb1: {  	v9 =	vld [tilespmem:s14+$0x41D0]  }
0xb2: {  	v14 =	vld [tilespmem:s14+$0x180]  }
0xb3: {  	v16 =	vld [tilespmem:s14+$0x190]  }
0xb4: {  	v8 =	vld [tilespmem:s14+$0x41E0]  }
0xb5: {  	v19 =	vld [tilespmem:s14+$0x1A0]  }
.Ltmp4:
0xb6: {  	v7 =	vld [tilespmem:s14+$0x41F0];
	(pc) =	sbr.rel @p0 .LBB2_6-.Ltmp4, $4  }
0xb7: {  	v12 =	vadd.f32 v12, v14;
	v15 =	vld [tilespmem:s14+$0x1B0]  }
0xb8: {  	v16 =	vadd.f32 v13, v16;
	v14 =	vld [tilespmem:s14+$0x1C0]  }
0xb9: {  	v18 =	vadd.f32 v18, v12;
	v13 =	vld [tilespmem:s14+$0x1D0]  }
0xba: {  	s9 =	sadd.s32 $0x200, s9;
	v16 =	vadd.f32 v20, v16;
	v17 =	vadd.f32 v17, v19;
	v12 =	vld [tilespmem:s14+$0x1E0]  }
0xbb: {  	v18 =	vmax.f32 v18, $0.0e+00;
	v19 =	vld [tilespmem:s14+$0x1F0];
	s9 =	sadd.s32 $0x1, s29  }
0xbc: {  	v56 =	vld [tilespmem:s14+$0x81E0];
	p0 =	slt.s32 s9, s28;
	v16 =	vmax.f32 v16, $0.0e+00;
	v6 =	vadd.f32 v6, v17;
	v11 =	vadd.f32 v11, v15  }
0xbd: {  	v58 =	vld [tilespmem:s14+$0x81F0];
	v57 =	vpsel !p0, $0x0, v18;
	v16 =	vpsel !p0, $0x0, v16;
	v10 =	vadd.f32 v10, v14  }
0xbe: {  	v6 =	vmax.f32 v6, $0.0e+00;
	v3 =	vadd.f32 v3, v11;
	v9 =	vadd.f32 v9, v13  }
0xbf: {  	[tilespmem:s14+$0x180] =	vst v57;
	v6 =	vpsel !p0, $0x0, v6;
	v4 =	vadd.f32 v4, v10;
	v8 =	vadd.f32 v8, v12  }
0xc0: {  	[tilespmem:s14+$0x190] =	vst v16;
	v3 =	vmax.f32 v3, $0.0e+00;
	v5 =	vadd.f32 v5, v9;
	v7 =	vadd.f32 v7, v19  }
0xc1: {  	[tilespmem:s14+$0x1A0] =	vst v6;
	v3 =	vpsel !p0, $0x0, v3;
	v4 =	vmax.f32 v4, $0.0e+00;
	v59 =	vadd.f32 v56, v8  }
0xc2: {  	[tilespmem:s14+$0x1B0] =	vst v3;
	v3 =	vpsel !p0, $0x0, v4;
	v60 =	vmax.f32 v5, $0.0e+00;
	v61 =	vadd.f32 v58, v7  }
0xc3: {  	[tilespmem:s14+$0x1C0] =	vst v3;
	v3 =	vpsel !p0, $0x0, v60;
	v62 =	vmax.f32 v59, $0.0e+00  }
0xc4: {  	[tilespmem:s14+$0x1D0] =	vst v3;
	v3 =	vpsel !p0, $0x0, v62;
	v63 =	vmax.f32 v61, $0.0e+00  }
0xc5: {  	s2 =	sadd.s32 $0x1, s2;
	[tilespmem:s14+$0x1E0] =	vst v3;
	v3 =	vpsel !p0, $0x0, v63  }
0xc6: {  	p0 =	sne.s32 s2, s30;
	[tilespmem:s14+$0x1F0] =	vst v3  }
0xc7: {  	[spmem:s1] =	stream.indirect.scatter.add.f32 [tilespmem:s16], [sflag:$0x6], $0x80, s22, s19, $0xb8;
	[tilespmem:$0xD200] =	vst v63  }
.Ltmp5:
0xc8: {  	_ = 	snop;
	(pc) =	sbr.rel @p0 .LBB2_5-.Ltmp5, $4  }
.Ltmp6:
0xc9: {  	_ = 	snop;
	(pc) =	sbr.rel @!p0 .LBB2_8-.Ltmp6, $4  }
0xca: {  	_ =	swait.ge [sflag:s15], $0x4000  }
0xcb: {  	[sflag:s15] =	ssyncset.done $0x0  }
0xcc: {  	s0 =	sadd.s32 $0x80, s0;
	[sflag:s15] =	ssyncadd.s32 $0xFFFFC000  }
0xcd: {  	_ = 	snop  }
.LBB2_9:
0xce: {  	_ =	sfence.sel $0x180000  }
0xcf: {  	[bflag:$0x0] =	sbarrier.arrive $0xFFFF  }
0xd0: {  	_ =	strace $0x90000047  }
0xd1: {  	s0 =	stileid.u32;
	[bflag:$0x2] =	sbarrier.arrive $0xFFFF  }
0xd2: {  	p0 =	sne.s32 s0, $0x0;
	s0 =	rddreg [dreg:$0x2]  }
0xd3: {  	s0 =	sadd.s32 @!p0 $0x100000, s0  }
0xd4: {  	[sflag:s0] =	ssyncadd.tile.s32 @!p0 $0x1;
	_ =	shalt  }
.Lfunc_end2:
_tile_overlayer_lowered:
.L_overlay_start_2:
0xd5: {  	(tag) =	ssettag $0x2  }
0xd6: {  	s0 =	rddreg [dreg:$0x0];
	s2 =	stileid.u32  }
0xd7: {  	s1 =	rddreg [dreg:$0x1];
	p0 =	sne.s32 s2, $0x0  }
0xd8: {  	s3 =	rddreg [dreg:$0x2];
	[bflag:$0x3] =	sbarrier.arrive $0xFFFF;
	s2 =	simm.s32 @!p0 $0x1C06  }
0xd9: {  	[timem:s3], [sflag:s2] =	dma.local @!p0 [hbm:s0], s1  }
0xda: {  	s0 =	simm.s32 @!p0 $0x6  }
0xdb: {  	_ =	swait.ge @!p0 [sflag:s0], s1  }
0xdc: {  	s1 =	ssub.s32 @!p0 $0x0, s1;
	[sflag:s0] =	ssyncset.done @!p0 $0x0  }
0xdd: {  	[sflag:s0] =	ssyncadd.s32 @!p0 s1  }
0xde: {  	[bflag:$0x3] =	sbarrier.arrive $0xFFFF  }
0xdf: {  	_ =	shalt  }

</sc_bundles>
